<compile_context>
chip_gen: v7x
topology: tpu7x:2x2x1
jax: 0.10.2.dev20260603
libtpu: 0.0.44.dev20260713+nightly
codegen_flags: <defaults>
</compile_context>

<pallas_src>
import functools

import jax
import jax.numpy as jnp
from jax import lax
from jax.experimental import pallas as pl
from jax.experimental.pallas import tpu as pltpu

P = 32
G = 8
MAX_RADIUS = 2.0
ANG_TO_NM = 0.1

_TN = (((0,), (0,)), ((), ()))


def _egnn_body(L, BLOCK, DE, HID, D, coeff,
               xall_ref, aidx_ref, emb_ref,
               w1a_ref, w1b_ref, w1c_ref, w2_ref, b2_ref,
               na_ref, nb_ref, nb1_ref, nw2_ref, nb2_ref,
               out_ref):
    f32 = jnp.float32
    NG = G * P
    E = G * P * P
    PP = P * P

    xall = xall_ref[0]
    d2 = ((xall[0:1, :] - xall[3:4, :]) ** 2
          + (xall[1:2, :] - xall[4:5, :]) ** 2
          + (xall[2:3, :] - xall[5:6, :]) ** 2)
    e_id = lax.broadcasted_iota(jnp.int32, (1, E), 1)
    i_id = lax.bitwise_and(lax.shift_right_logical(e_id, 5), P - 1)
    j_id = lax.bitwise_and(e_id, P - 1)
    emt = ((d2 < MAX_RADIUS * MAX_RADIUS) & (i_id != j_id)
           & (j_id < BLOCK)).astype(f32)
    dist = jnp.sqrt(d2 + 1e-12)
    offc = (MAX_RADIUS / (DE - 1)) * lax.broadcasted_iota(
        jnp.int32, (DE, 1), 0).astype(f32)
    ea = jnp.exp(coeff * (dist - offc) ** 2)
    ones_row = jnp.ones((1, E), f32)
    rfeatT = jnp.concatenate([d2, ea, ones_row], axis=0)

    ec = lax.broadcasted_iota(jnp.int32, (2 * P, PP), 1)
    er = lax.broadcasted_iota(jnp.int32, (2 * P, PP), 0)
    ohijT = (((ec // P) == er) | ((ec % P) == (er - P))).astype(f32)

    one11 = jnp.ones((1, 1), f32)
    emcols = [lax.dot_general(emt[:, g * PP:(g + 1) * PP], one11, _TN,
                              preferred_element_type=f32)
              for g in range(G)]
    lhsTs = [jnp.concatenate([rfeatT[:, g * PP:(g + 1) * PP], ohijT], axis=0)
             for g in range(G)]

    aidx = aidx_ref[...]
    oneh = (aidx == lax.broadcasted_iota(jnp.int32, (1, 128), 1)).astype(f32)
    h = jnp.dot(oneh, emb_ref[...], preferred_element_type=f32)

    for l in range(L):
        hr = jnp.dot(h, w1a_ref[l], preferred_element_type=f32)
        hc = jnp.dot(h, w1b_ref[l], preferred_element_type=f32)
        aggs = []
        for g in range(G):
            rhs = jnp.concatenate(
                [w1c_ref[l], hr[g * P:(g + 1) * P, :],
                 hc[g * P:(g + 1) * P, :]], axis=0)
            m1 = jax.nn.relu(lax.dot_general(lhsTs[g], rhs, _TN,
                                             preferred_element_type=f32))
            m2 = jax.nn.relu(jnp.dot(m1, w2_ref[l], preferred_element_type=f32)
                             + b2_ref[l:l + 1, :])
            m2 = m2 * emcols[g]
            aggs.append(m2.reshape(P, P, HID).sum(axis=1))
        agg = jnp.concatenate(aggs, axis=0)
        nm = jax.nn.relu(jnp.dot(h, na_ref[l], preferred_element_type=f32)
                         + jnp.dot(agg, nb_ref[l], preferred_element_type=f32)
                         + nb1_ref[l:l + 1, :])
        nm = jnp.dot(nm, nw2_ref[l], preferred_element_type=f32) + nb2_ref[l:l + 1, :]
        h = 2.0 * h + nm

    pooled = h.reshape(G, P, D)[:, :BLOCK, :].sum(axis=1) * (1.0 / BLOCK)
    out_ref[...] = pooled.reshape(1, G, D)


def kernel(local_coords, atom_types, bb_num_vec, emb, edge_w1, edge_b1,
           edge_w2, edge_b2, node_w1, node_b1, node_w2, node_b2,
           coord_w1, coord_b1, coord_w2):
    f32 = jnp.float32
    N = local_coords.shape[0]
    NB = bb_num_vec.shape[0]
    BLOCK = N // NB
    D = emb.shape[1]
    HID = edge_w2.shape[1]
    L = edge_w1.shape[0]
    DE = edge_w1.shape[1] - 2 * D - 1
    coeff = -0.5 / (MAX_RADIUS / (DE - 1)) ** 2
    NC = NB // G
    PP = P * P

    lc3 = local_coords.astype(f32).reshape(NB, BLOCK, 3)
    lcp = jnp.pad(lc3, ((0, 0), (0, P - BLOCK), (0, 0)))
    xi_b = jnp.broadcast_to(lcp[:, :, None, :], (NB, P, P, 3))
    xj_b = jnp.broadcast_to(lcp[:, None, :, :], (NB, P, P, 3))
    xall = jnp.stack([xi_b, xj_b], axis=1).transpose(0, 1, 4, 2, 3)
    xall = xall.reshape(NC, G, 2, 3, PP).transpose(0, 2, 3, 1, 4)
    xall = xall.reshape(NC, 6, G * PP)

    ai = (atom_types.astype(jnp.int32) - 1) % emb.shape[0]
    aip = jnp.pad(ai.reshape(NB, BLOCK), ((0, 0), (0, P - BLOCK)))
    aip = aip.reshape(NB * P, 1)

    embp = jnp.pad(emb.astype(f32), ((0, 128 - emb.shape[0]), (0, 0)))

    w1a = edge_w1[:, :D, :]
    w1b = edge_w1[:, D:2 * D, :]
    w1c = jnp.concatenate([
        (ANG_TO_NM * ANG_TO_NM) * edge_w1[:, 2 * D:2 * D + 1, :],
        edge_w1[:, 2 * D + 1:, :],
        edge_b1[:, None, :],
    ], axis=1)
    na = node_w1[:, :D, :]
    nb = node_w1[:, D:, :]

    body = functools.partial(_egnn_body, L, BLOCK, DE, HID, D, coeff)
    out = pl.pallas_call(
        body,
        grid=(NC,),
        in_specs=[
            pl.BlockSpec((1, 6, G * PP), lambda b: (b, 0, 0)),
            pl.BlockSpec((G * P, 1), lambda b: (b, 0)),
            pl.BlockSpec((128, 128), lambda b: (0, 0)),
            pl.BlockSpec((L, D, HID), lambda b: (0, 0, 0)),
            pl.BlockSpec((L, D, HID), lambda b: (0, 0, 0)),
            pl.BlockSpec((L, DE + 2, HID), lambda b: (0, 0, 0)),
            pl.BlockSpec((L, HID, HID), lambda b: (0, 0, 0)),
            pl.BlockSpec((L, HID), lambda b: (0, 0)),
            pl.BlockSpec((L, D, HID), lambda b: (0, 0, 0)),
            pl.BlockSpec((L, HID, HID), lambda b: (0, 0, 0)),
            pl.BlockSpec((L, HID), lambda b: (0, 0)),
            pl.BlockSpec((L, HID, D), lambda b: (0, 0, 0)),
            pl.BlockSpec((L, D), lambda b: (0, 0)),
        ],
        out_specs=pl.BlockSpec((1, G, D), lambda b: (b, 0, 0)),
        out_shape=jax.ShapeDtypeStruct((NC, G, D), f32),
        compiler_params=pltpu.CompilerParams(
            dimension_semantics=("arbitrary",)),
    )(xall, aip, embp, w1a, w1b, w1c, edge_w2, edge_b2,
      na, nb, node_b1, node_w2, node_b2)
    return out.reshape(NB, D)

# --- scband reference (transcript-rebuilt; emitter-appended) ---
"""Pipeline reference for scband-building-block-embedder-69870527971630 (READ-ONLY COPY).

The authoritative reference and input builder live on the scoring server;
editing this copy changes nothing except your own understanding.
"""

import jax, jax.numpy as jnp
import numpy as np

N = 50000
BLOCK = 25
NB = N // BLOCK
D = 128
HID = 128
DE = 16
L = 3
MAX_ATOMS = 100
MAX_RADIUS = 2.0
ANG_TO_NM = 0.1


def _radius_graph(coords):
    # per-building-block all-pairs within MAX_RADIUS, no self loops.
    # block size (25) < max_neighbors+1 (33) so the neighbor cap never binds.
    c = coords.reshape(NB, BLOCK, 3)
    d2 = ((c[:, :, None, :] - c[:, None, :, :]) ** 2).sum(-1)
    mask = (d2 < MAX_RADIUS ** 2) & (~jnp.eye(BLOCK, dtype=bool)[None])
    b = jnp.arange(NB, dtype=jnp.int32)[:, None, None]
    i = jnp.arange(BLOCK, dtype=jnp.int32)[None, :, None]
    j = jnp.arange(BLOCK, dtype=jnp.int32)[None, None, :]
    row = jnp.broadcast_to(b * BLOCK + i, (NB, BLOCK, BLOCK)).reshape(-1)
    col = jnp.broadcast_to(b * BLOCK + j, (NB, BLOCK, BLOCK)).reshape(-1)
    return jnp.stack([row, col], axis=0), mask.reshape(-1)


def setup_inputs(seed: int = 0):
    key = jax.random.key(seed)
    ks = jax.random.split(key, 16)
    inp = {}
    inp['local_coords'] = jax.random.normal(ks[0], (N, 3), dtype=jnp.float32)
    inp['atom_types'] = jax.random.randint(ks[1], (N,), 1, MAX_ATOMS + 1, dtype=jnp.int32)
    inp['bb_num_vec'] = jnp.full((NB,), BLOCK, dtype=jnp.int32)
    inp['emb'] = 0.05 * jax.random.normal(ks[2], (MAX_ATOMS, D), dtype=jnp.float32)
    inp['edge_w1'] = 0.05 * jax.random.normal(ks[3], (L, 2 * D + 1 + DE, HID), dtype=jnp.float32)
    inp['edge_b1'] = jnp.zeros((L, HID), dtype=jnp.float32)
    inp['edge_w2'] = 0.05 * jax.random.normal(ks[4], (L, HID, HID), dtype=jnp.float32)
    inp['edge_b2'] = jnp.zeros((L, HID), dtype=jnp.float32)
    inp['node_w1'] = 0.05 * jax.random.normal(ks[5], (L, HID + D, HID), dtype=jnp.float32)
    inp['node_b1'] = jnp.zeros((L, HID), dtype=jnp.float32)
    inp['node_w2'] = 0.05 * jax.random.normal(ks[6], (L, HID, D), dtype=jnp.float32)
    inp['node_b2'] = jnp.zeros((L, D), dtype=jnp.float32)
    inp['coord_w1'] = 0.05 * jax.random.normal(ks[7], (L, HID, HID), dtype=jnp.float32)
    inp['coord_b1'] = jnp.zeros((L, HID), dtype=jnp.float32)
    inp['coord_w2'] = 0.05 * jax.random.normal(ks[8], (L, HID, 1), dtype=jnp.float32)
    return inp


def _forward(local_coords, emb, edge_w1, edge_b1, edge_w2, edge_b2, node_w1, node_b1, node_w2, node_b2, coord_w1, coord_b1, coord_w2, atom_types, bb_ids, edge_index, edge_mask):
    row, col = edge_index[0], edge_index[1]
    em = edge_mask.astype(local_coords.dtype)
    h = emb[(atom_types - 1) % MAX_ATOMS]
    diff = local_coords[col] - local_coords[row]
    dists = jnp.sqrt(jnp.sum(diff * diff, axis=-1) + 1e-12)
    offset = jnp.linspace(0.0, MAX_RADIUS, DE)
    coeff = -0.5 / (offset[1] - offset[0]) ** 2
    edge_attr = jnp.exp(coeff * (dists[:, None] - offset[None, :]) ** 2)
    coord = local_coords * ANG_TO_NM
    for l in range(L):
        coord_diff = coord[row] - coord[col]
        radial = jnp.sum(coord_diff ** 2, axis=1, keepdims=True)
        ef = jnp.concatenate([h[row], h[col], radial, edge_attr], axis=1)
        m = jax.nn.relu(ef @ edge_w1[l] + edge_b1[l])
        m = jax.nn.relu(m @ edge_w2[l] + edge_b2[l])
        # coord model (E_GCL computes it; BuildingBlockEmbedder discards updated coords)
        cm = jax.nn.relu(m @ coord_w1[l] + coord_b1[l]) @ coord_w2[l]
        trans = coord_diff * cm * em[:, None]
        cnt = jnp.clip(jnp.zeros((N,), dtype=local_coords.dtype).at[row].add(em), 1.0)
        _coord_out = coord + jnp.zeros((N, 3), dtype=local_coords.dtype).at[row].add(trans) / cnt[:, None]
        # node model (residual=True inside E_GCL)
        agg = jax.ops.segment_sum(m * em[:, None], row, num_segments=N)
        nm = jax.nn.relu(jnp.concatenate([h, agg], axis=1) @ node_w1[l] + node_b1[l])
        nm = nm @ node_w2[l] + node_b2[l]
        node_update = h + nm
        # outer residual in BuildingBlockEmbedder: node_attr = node_attr + node_update
        h = h + node_update
    sums = jax.ops.segment_sum(h, bb_ids, num_segments=NB)
    counts = jnp.clip(jax.ops.segment_sum(jnp.ones((N,), dtype=h.dtype), bb_ids, num_segments=NB), 1.0)
    return sums / counts[:, None]


def reference(local_coords, atom_types, bb_num_vec, emb, edge_w1, edge_b1, edge_w2, edge_b2, node_w1, node_b1, node_w2, node_b2, coord_w1, coord_b1, coord_w2):
    edge_index, edge_mask = _radius_graph(local_coords)
    nb = bb_num_vec.shape[0]
    bb_ids = jnp.repeat(jnp.arange(nb, dtype=jnp.int32), bb_num_vec, total_repeat_length=N).astype(jnp.int32)
    return _forward(local_coords, emb, edge_w1, edge_b1, edge_w2, edge_b2, node_w1, node_b1, node_w2, node_b2, coord_w1, coord_b1, coord_w2, atom_types, bb_ids, edge_index, edge_mask)

if __name__ == "__main__":
    import jax
    _d = setup_inputs()
    print(jax.jit(kernel)(*tuple(_d.values())))

</pallas_src>

<mosaic_0001>
module attributes {stable_mosaic.version = 14 : i64} {
  func.func @_egnn_body(%arg0: i32, %arg1: memref<1x6x8192xf32, #tpu.memory_space<vmem>>, %arg2: memref<256x1xi32, #tpu.memory_space<vmem>>, %arg3: memref<128x128xf32, #tpu.memory_space<vmem>>, %arg4: memref<3x128x128xf32, #tpu.memory_space<vmem>>, %arg5: memref<3x128x128xf32, #tpu.memory_space<vmem>>, %arg6: memref<3x18x128xf32, #tpu.memory_space<vmem>>, %arg7: memref<3x128x128xf32, #tpu.memory_space<vmem>>, %arg8: memref<3x128xf32, #tpu.memory_space<vmem>>, %arg9: memref<3x128x128xf32, #tpu.memory_space<vmem>>, %arg10: memref<3x128x128xf32, #tpu.memory_space<vmem>>, %arg11: memref<3x128xf32, #tpu.memory_space<vmem>>, %arg12: memref<3x128x128xf32, #tpu.memory_space<vmem>>, %arg13: memref<3x128xf32, #tpu.memory_space<vmem>>, %arg14: memref<1x8x128xf32, #tpu.memory_space<vmem>>) attributes {dimension_semantics = [#tpu.dimension_semantics<arbitrary>], iteration_bounds = array<i64: 250>, scalar_prefetch = 0 : i64, scratch_operands = 0 : i64, tpu.core_type = #tpu.core_type<tc>, window_params = [{transform_indices = @transform_0, window_bounds = array<i64: 1, 6, 8192>}, {transform_indices = @transform_1, window_bounds = array<i64: 256, 1>}, {pipeline_mode = #tpu.pipeline_mode<synchronous>, transform_indices = @transform_2, window_bounds = array<i64: 128, 128>}, {pipeline_mode = #tpu.pipeline_mode<synchronous>, transform_indices = @transform_3, window_bounds = array<i64: 3, 128, 128>}, {pipeline_mode = #tpu.pipeline_mode<synchronous>, transform_indices = @transform_4, window_bounds = array<i64: 3, 128, 128>}, {pipeline_mode = #tpu.pipeline_mode<synchronous>, transform_indices = @transform_5, window_bounds = array<i64: 3, 18, 128>}, {pipeline_mode = #tpu.pipeline_mode<synchronous>, transform_indices = @transform_6, window_bounds = array<i64: 3, 128, 128>}, {pipeline_mode = #tpu.pipeline_mode<synchronous>, transform_indices = @transform_7, window_bounds = array<i64: 3, 128>}, {pipeline_mode = #tpu.pipeline_mode<synchronous>, transform_indices = @transform_8, window_bounds = array<i64: 3, 128, 128>}, {pipeline_mode = #tpu.pipeline_mode<synchronous>, transform_indices = @transform_9, window_bounds = array<i64: 3, 128, 128>}, {pipeline_mode = #tpu.pipeline_mode<synchronous>, transform_indices = @transform_10, window_bounds = array<i64: 3, 128>}, {pipeline_mode = #tpu.pipeline_mode<synchronous>, transform_indices = @transform_11, window_bounds = array<i64: 3, 128, 128>}, {pipeline_mode = #tpu.pipeline_mode<synchronous>, transform_indices = @transform_12, window_bounds = array<i64: 3, 128>}, {transform_indices = @transform_13, window_bounds = array<i64: 1, 8, 128>}]} {
    %get3A = arith.constant 0 : index
    %get3A_0 = arith.constant 0 : index
    %get3A_1 = arith.constant 0 : index
    %get3A_2 = vector.load %arg1[%get3A, %get3A_0, %get3A_1] : memref<1x6x8192xf32, #tpu.memory_space<vmem>>, vector<1x6x8192xf32>
    %get3A_3 = vector.shape_cast %get3A_2 : vector<1x6x8192xf32> to vector<6x8192xf32>
    %slice3A = vector.extract_strided_slice %get3A_3 {offsets = [0, 0], sizes = [1, 8192], strides = [1, 1]} : vector<6x8192xf32> to vector<1x8192xf32>
    %slice3A_4 = vector.extract_strided_slice %get3A_3 {offsets = [3, 0], sizes = [1, 8192], strides = [1, 1]} : vector<6x8192xf32> to vector<1x8192xf32>
    %sub3A = arith.subf %slice3A, %slice3A_4 : vector<1x8192xf32>
    %integer_pow3A = arith.mulf %sub3A, %sub3A : vector<1x8192xf32>
    %slice3A_5 = vector.extract_strided_slice %get3A_3 {offsets = [1, 0], sizes = [1, 8192], strides = [1, 1]} : vector<6x8192xf32> to vector<1x8192xf32>
    %slice3A_6 = vector.extract_strided_slice %get3A_3 {offsets = [4, 0], sizes = [1, 8192], strides = [1, 1]} : vector<6x8192xf32> to vector<1x8192xf32>
    %sub3A_7 = arith.subf %slice3A_5, %slice3A_6 : vector<1x8192xf32>
    %integer_pow3A_8 = arith.mulf %sub3A_7, %sub3A_7 : vector<1x8192xf32>
    %add3A = arith.addf %integer_pow3A, %integer_pow3A_8 : vector<1x8192xf32>
    %slice3A_9 = vector.extract_strided_slice %get3A_3 {offsets = [2, 0], sizes = [1, 8192], strides = [1, 1]} : vector<6x8192xf32> to vector<1x8192xf32>
    %slice3A_10 = vector.extract_strided_slice %get3A_3 {offsets = [5, 0], sizes = [1, 8192], strides = [1, 1]} : vector<6x8192xf32> to vector<1x8192xf32>
    %sub3A_11 = arith.subf %slice3A_9, %slice3A_10 : vector<1x8192xf32>
    %integer_pow3A_12 = arith.mulf %sub3A_11, %sub3A_11 : vector<1x8192xf32>
    %add3A_13 = arith.addf %add3A, %integer_pow3A_12 : vector<1x8192xf32>
    %iota3A = tpu.iota {dimensions = array<i32: 1>} : vector<1x8192xi32>
    %shift_right_logical3A = arith.constant 5 : i32
    %shift_right_logical3A_14 = vector.broadcast %shift_right_logical3A : i32 to vector<1x8192xi32>
    %shift_right_logical3A_15 = arith.shrui %iota3A, %shift_right_logical3A_14 : vector<1x8192xi32>
    %and3A = arith.constant 31 : i32
    %and3A_16 = vector.broadcast %and3A : i32 to vector<1x8192xi32>
    %and3A_17 = arith.andi %shift_right_logical3A_15, %and3A_16 : vector<1x8192xi32>
    %and3A_18 = arith.constant 31 : i32
    %and3A_19 = vector.broadcast %and3A_18 : i32 to vector<1x8192xi32>
    %and3A_20 = arith.andi %iota3A, %and3A_19 : vector<1x8192xi32>
    %lt3A = arith.constant 4.000000e+00 : f32
    %lt3A_21 = vector.broadcast %lt3A : f32 to vector<1x8192xf32>
    %lt3A_22 = arith.cmpf olt, %add3A_13, %lt3A_21 : vector<1x8192xf32>
    %ne3A = arith.cmpi ne, %and3A_17, %and3A_20 : vector<1x8192xi32>
    %and3A_23 = arith.andi %lt3A_22, %ne3A : vector<1x8192xi1>
    %lt3A_24 = arith.constant 25 : i32
    %lt3A_25 = vector.broadcast %lt3A_24 : i32 to vector<1x8192xi32>
    %lt3A_26 = arith.cmpi slt, %and3A_20, %lt3A_25 : vector<1x8192xi32>
    %and3A_27 = arith.andi %and3A_23, %lt3A_26 : vector<1x8192xi1>
    %convert_element_type3A = arith.extui %and3A_27 : vector<1x8192xi1> to vector<1x8192xi32>
    %convert_element_type3A_28 = arith.sitofp %convert_element_type3A : vector<1x8192xi32> to vector<1x8192xf32>
    %add3A_29 = arith.constant 9.99999996E-13 : f32
    %add3A_30 = vector.broadcast %add3A_29 : f32 to vector<1x8192xf32>
    %add3A_31 = arith.addf %add3A_13, %add3A_30 : vector<1x8192xf32>
    %sqrt3A = math.sqrt %add3A_31 : vector<1x8192xf32>
    %iota3A_32 = tpu.iota {dimensions = array<i32: 0>} : vector<16x1xi32>
    %convert_element_type3A_33 = arith.sitofp %iota3A_32 : vector<16x1xi32> to vector<16x1xf32>
    %mul3A = arith.constant 0.13333334 : f32
    %mul3A_34 = vector.broadcast %mul3A : f32 to vector<16x1xf32>
    %mul3A_35 = arith.mulf %mul3A_34, %convert_element_type3A_33 : vector<16x1xf32>
    %sub3A_36 = vector.broadcast %sqrt3A : vector<1x8192xf32> to vector<16x8192xf32>
    %sub3A_37 = vector.broadcast %mul3A_35 : vector<16x1xf32> to vector<16x8192xf32>
    %sub3A_38 = arith.subf %sub3A_36, %sub3A_37 : vector<16x8192xf32>
    %integer_pow3A_39 = arith.mulf %sub3A_38, %sub3A_38 : vector<16x8192xf32>
    %mul3A_40 = arith.constant -2.812500e+01 : f32
    %mul3A_41 = vector.broadcast %mul3A_40 : f32 to vector<16x8192xf32>
    %mul3A_42 = arith.mulf %mul3A_41, %integer_pow3A_39 : vector<16x8192xf32>
    %exp3A = math.exp %mul3A_42 : vector<16x8192xf32>
    %broadcast_in_dim3A = arith.constant 1.000000e+00 : f32
    %broadcast_in_dim3A_43 = vector.broadcast %broadcast_in_dim3A : f32 to vector<1x8192xf32>
    %concatenate3A = tpu.concatenate %add3A_13, %exp3A, %broadcast_in_dim3A_43 in 0 : vector<1x8192xf32>, vector<16x8192xf32>, vector<1x8192xf32> -> vector<18x8192xf32>
    %iota3A_44 = tpu.iota {dimensions = array<i32: 1>} : vector<64x1024xi32>
    %iota3A_45 = tpu.iota {dimensions = array<i32: 0>} : vector<64x1024xi32>
    %jit3A = arith.constant 32 : i32
    %div3A = vector.broadcast %jit3A : i32 to vector<64x1024xi32>
    %div3A_46 = arith.divsi %iota3A_44, %div3A : vector<64x1024xi32>
    %sign3A = arith.constant 0 : i32
    %sign3A_47 = vector.broadcast %sign3A : i32 to vector<64x1024xi32>
    %sign3A_48 = arith.cmpi sgt, %iota3A_44, %sign3A_47 : vector<64x1024xi32>
    %sign3A_49 = arith.extui %sign3A_48 : vector<64x1024xi1> to vector<64x1024xi32>
    %sign3A_50 = arith.constant 0 : i32
    %sign3A_51 = vector.broadcast %sign3A_50 : i32 to vector<64x1024xi32>
    %sign3A_52 = arith.cmpi slt, %iota3A_44, %sign3A_51 : vector<64x1024xi32>
    %sign3A_53 = arith.extui %sign3A_52 : vector<64x1024xi1> to vector<64x1024xi32>
    %sign3A_54 = arith.subi %sign3A_49, %sign3A_53 : vector<64x1024xi32>
    %sign3A_55 = arith.constant 0 : i32
    %sign3A_56 = arith.cmpi sgt, %jit3A, %sign3A_55 : i32
    %sign3A_57 = arith.extui %sign3A_56 : i1 to i32
    %sign3A_58 = arith.constant 0 : i32
    %sign3A_59 = arith.cmpi slt, %jit3A, %sign3A_58 : i32
    %sign3A_60 = arith.extui %sign3A_59 : i1 to i32
    %sign3A_61 = arith.subi %sign3A_57, %sign3A_60 : i32
    %ne3A_62 = vector.broadcast %sign3A_61 : i32 to vector<64x1024xi32>
    %ne3A_63 = arith.cmpi ne, %sign3A_54, %ne3A_62 : vector<64x1024xi32>
    %rem3A = vector.broadcast %jit3A : i32 to vector<64x1024xi32>
    %rem3A_64 = arith.remsi %iota3A_44, %rem3A : vector<64x1024xi32>
    %ne3A_65 = arith.constant 0 : i32
    %ne3A_66 = vector.broadcast %ne3A_65 : i32 to vector<64x1024xi32>
    %ne3A_67 = arith.cmpi ne, %rem3A_64, %ne3A_66 : vector<64x1024xi32>
    %and3A_68 = arith.andi %ne3A_63, %ne3A_67 : vector<64x1024xi1>
    %sub3A_69 = arith.constant 1 : i32
    %sub3A_70 = vector.broadcast %sub3A_69 : i32 to vector<64x1024xi32>
    %sub3A_71 = arith.subi %div3A_46, %sub3A_70 : vector<64x1024xi32>
    %select_n3A = arith.select %and3A_68, %sub3A_71, %div3A_46 : vector<64x1024xi1>, vector<64x1024xi32>
    %eq3A = arith.cmpi eq, %select_n3A, %iota3A_45 : vector<64x1024xi32>
    %jit3A_72 = arith.constant 32 : i32
    %eq3A_73 = arith.constant 0 : i32
    %eq3A_74 = arith.cmpi eq, %jit3A_72, %eq3A_73 : i32
    %jit3A_75 = arith.constant 1 : i32
    %select_n3A_76 = arith.select %eq3A_74, %jit3A_75, %jit3A_72 : i32
    %rem3A_77 = vector.broadcast %select_n3A_76 : i32 to vector<64x1024xi32>
    %rem3A_78 = arith.remsi %iota3A_44, %rem3A_77 : vector<64x1024xi32>
    %ne3A_79 = arith.constant 0 : i32
    %ne3A_80 = vector.broadcast %ne3A_79 : i32 to vector<64x1024xi32>
    %ne3A_81 = arith.cmpi ne, %rem3A_78, %ne3A_80 : vector<64x1024xi32>
    %lt3A_82 = arith.constant 0 : i32
    %lt3A_83 = vector.broadcast %lt3A_82 : i32 to vector<64x1024xi32>
    %lt3A_84 = arith.cmpi slt, %rem3A_78, %lt3A_83 : vector<64x1024xi32>
    %lt3A_85 = arith.constant 0 : i32
    %lt3A_86 = arith.cmpi slt, %select_n3A_76, %lt3A_85 : i32
    %ne3A_87 = vector.broadcast %lt3A_86 : i1 to vector<64x1024xi1>
    %ne3A_88 = vector.broadcast %ne3A_87 : vector<64x1024xi1> to vector<64x1024xi1>
    %ne3A_89 = arith.xori %lt3A_84, %ne3A_88 : vector<64x1024xi1>
    %and3A_90 = arith.andi %ne3A_89, %ne3A_81 : vector<64x1024xi1>
    %add3A_91 = vector.broadcast %select_n3A_76 : i32 to vector<64x1024xi32>
    %add3A_92 = arith.addi %rem3A_78, %add3A_91 : vector<64x1024xi32>
    %select_n3A_93 = arith.select %and3A_90, %add3A_92, %rem3A_78 : vector<64x1024xi1>, vector<64x1024xi32>
    %sub3A_94 = arith.constant 32 : i32
    %sub3A_95 = vector.broadcast %sub3A_94 : i32 to vector<64x1024xi32>
    %sub3A_96 = arith.subi %iota3A_45, %sub3A_95 : vector<64x1024xi32>
    %eq3A_97 = arith.cmpi eq, %select_n3A_93, %sub3A_96 : vector<64x1024xi32>
    %or3A = arith.ori %eq3A, %eq3A_97 : vector<64x1024xi1>
    %convert_element_type3A_98 = arith.extui %or3A : vector<64x1024xi1> to vector<64x1024xi32>
    %convert_element_type3A_99 = arith.sitofp %convert_element_type3A_98 : vector<64x1024xi32> to vector<64x1024xf32>
    %broadcast_in_dim3A_100 = arith.constant 1.000000e+00 : f32
    %broadcast_in_dim3A_101 = vector.broadcast %broadcast_in_dim3A_100 : f32 to vector<1x1xf32>
    %slice3A_102 = vector.extract_strided_slice %convert_element_type3A_28 {offsets = [0, 0], sizes = [1, 1024], strides = [1, 1]} : vector<1x8192xf32> to vector<1x1024xf32>
    %dot_general3A = arith.constant dense<0.000000e+00> : vector<1024x1xf32>
    %dot_general3A_103 = tpu.matmul %slice3A_102, %broadcast_in_dim3A_101, %dot_general3A {dimension_numbers = #tpu.dot_dimension_numbers<[0], [0], [1], [1], [0, 1, 1, 1], [], []>, transpose_lhs_hint = false} : vector<1x1024xf32>, vector<1x1xf32>, vector<1024x1xf32> -> vector<1024x1xf32>
    %slice3A_104 = vector.extract_strided_slice %convert_element_type3A_28 {offsets = [0, 1024], sizes = [1, 1024], strides = [1, 1]} : vector<1x8192xf32> to vector<1x1024xf32>
    %dot_general3A_105 = arith.constant dense<0.000000e+00> : vector<1024x1xf32>
    %dot_general3A_106 = tpu.matmul %slice3A_104, %broadcast_in_dim3A_101, %dot_general3A_105 {dimension_numbers = #tpu.dot_dimension_numbers<[0], [0], [1], [1], [0, 1, 1, 1], [], []>, transpose_lhs_hint = false} : vector<1x1024xf32>, vector<1x1xf32>, vector<1024x1xf32> -> vector<1024x1xf32>
    %slice3A_107 = vector.extract_strided_slice %convert_element_type3A_28 {offsets = [0, 2048], sizes = [1, 1024], strides = [1, 1]} : vector<1x8192xf32> to vector<1x1024xf32>
    %dot_general3A_108 = arith.constant dense<0.000000e+00> : vector<1024x1xf32>
    %dot_general3A_109 = tpu.matmul %slice3A_107, %broadcast_in_dim3A_101, %dot_general3A_108 {dimension_numbers = #tpu.dot_dimension_numbers<[0], [0], [1], [1], [0, 1, 1, 1], [], []>, transpose_lhs_hint = false} : vector<1x1024xf32>, vector<1x1xf32>, vector<1024x1xf32> -> vector<1024x1xf32>
    %slice3A_110 = vector.extract_strided_slice %convert_element_type3A_28 {offsets = [0, 3072], sizes = [1, 1024], strides = [1, 1]} : vector<1x8192xf32> to vector<1x1024xf32>
    %dot_general3A_111 = arith.constant dense<0.000000e+00> : vector<1024x1xf32>
    %dot_general3A_112 = tpu.matmul %slice3A_110, %broadcast_in_dim3A_101, %dot_general3A_111 {dimension_numbers = #tpu.dot_dimension_numbers<[0], [0], [1], [1], [0, 1, 1, 1], [], []>, transpose_lhs_hint = false} : vector<1x1024xf32>, vector<1x1xf32>, vector<1024x1xf32> -> vector<1024x1xf32>
    %slice3A_113 = vector.extract_strided_slice %convert_element_type3A_28 {offsets = [0, 4096], sizes = [1, 1024], strides = [1, 1]} : vector<1x8192xf32> to vector<1x1024xf32>
    %dot_general3A_114 = arith.constant dense<0.000000e+00> : vector<1024x1xf32>
    %dot_general3A_115 = tpu.matmul %slice3A_113, %broadcast_in_dim3A_101, %dot_general3A_114 {dimension_numbers = #tpu.dot_dimension_numbers<[0], [0], [1], [1], [0, 1, 1, 1], [], []>, transpose_lhs_hint = false} : vector<1x1024xf32>, vector<1x1xf32>, vector<1024x1xf32> -> vector<1024x1xf32>
    %slice3A_116 = vector.extract_strided_slice %convert_element_type3A_28 {offsets = [0, 5120], sizes = [1, 1024], strides = [1, 1]} : vector<1x8192xf32> to vector<1x1024xf32>
    %dot_general3A_117 = arith.constant dense<0.000000e+00> : vector<1024x1xf32>
    %dot_general3A_118 = tpu.matmul %slice3A_116, %broadcast_in_dim3A_101, %dot_general3A_117 {dimension_numbers = #tpu.dot_dimension_numbers<[0], [0], [1], [1], [0, 1, 1, 1], [], []>, transpose_lhs_hint = false} : vector<1x1024xf32>, vector<1x1xf32>, vector<1024x1xf32> -> vector<1024x1xf32>
    %slice3A_119 = vector.extract_strided_slice %convert_element_type3A_28 {offsets = [0, 6144], sizes = [1, 1024], strides = [1, 1]} : vector<1x8192xf32> to vector<1x1024xf32>
    %dot_general3A_120 = arith.constant dense<0.000000e+00> : vector<1024x1xf32>
    %dot_general3A_121 = tpu.matmul %slice3A_119, %broadcast_in_dim3A_101, %dot_general3A_120 {dimension_numbers = #tpu.dot_dimension_numbers<[0], [0], [1], [1], [0, 1, 1, 1], [], []>, transpose_lhs_hint = false} : vector<1x1024xf32>, vector<1x1xf32>, vector<1024x1xf32> -> vector<1024x1xf32>
    %slice3A_122 = vector.extract_strided_slice %convert_element_type3A_28 {offsets = [0, 7168], sizes = [1, 1024], strides = [1, 1]} : vector<1x8192xf32> to vector<1x1024xf32>
    %dot_general3A_123 = arith.constant dense<0.000000e+00> : vector<1024x1xf32>
    %dot_general3A_124 = tpu.matmul %slice3A_122, %broadcast_in_dim3A_101, %dot_general3A_123 {dimension_numbers = #tpu.dot_dimension_numbers<[0], [0], [1], [1], [0, 1, 1, 1], [], []>, transpose_lhs_hint = false} : vector<1x1024xf32>, vector<1x1xf32>, vector<1024x1xf32> -> vector<1024x1xf32>
    %slice3A_125 = vector.extract_strided_slice %concatenate3A {offsets = [0, 0], sizes = [18, 1024], strides = [1, 1]} : vector<18x8192xf32> to vector<18x1024xf32>
    %concatenate3A_126 = tpu.concatenate %slice3A_125, %convert_element_type3A_99 in 0 : vector<18x1024xf32>, vector<64x1024xf32> -> vector<82x1024xf32>
    %slice3A_127 = vector.extract_strided_slice %concatenate3A {offsets = [0, 1024], sizes = [18, 1024], strides = [1, 1]} : vector<18x8192xf32> to vector<18x1024xf32>
    %concatenate3A_128 = tpu.concatenate %slice3A_127, %convert_element_type3A_99 in 0 : vector<18x1024xf32>, vector<64x1024xf32> -> vector<82x1024xf32>
    %slice3A_129 = vector.extract_strided_slice %concatenate3A {offsets = [0, 2048], sizes = [18, 1024], strides = [1, 1]} : vector<18x8192xf32> to vector<18x1024xf32>
    %concatenate3A_130 = tpu.concatenate %slice3A_129, %convert_element_type3A_99 in 0 : vector<18x1024xf32>, vector<64x1024xf32> -> vector<82x1024xf32>
    %slice3A_131 = vector.extract_strided_slice %concatenate3A {offsets = [0, 3072], sizes = [18, 1024], strides = [1, 1]} : vector<18x8192xf32> to vector<18x1024xf32>
    %concatenate3A_132 = tpu.concatenate %slice3A_131, %convert_element_type3A_99 in 0 : vector<18x1024xf32>, vector<64x1024xf32> -> vector<82x1024xf32>
    %slice3A_133 = vector.extract_strided_slice %concatenate3A {offsets = [0, 4096], sizes = [18, 1024], strides = [1, 1]} : vector<18x8192xf32> to vector<18x1024xf32>
    %concatenate3A_134 = tpu.concatenate %slice3A_133, %convert_element_type3A_99 in 0 : vector<18x1024xf32>, vector<64x1024xf32> -> vector<82x1024xf32>
    %slice3A_135 = vector.extract_strided_slice %concatenate3A {offsets = [0, 5120], sizes = [18, 1024], strides = [1, 1]} : vector<18x8192xf32> to vector<18x1024xf32>
    %concatenate3A_136 = tpu.concatenate %slice3A_135, %convert_element_type3A_99 in 0 : vector<18x1024xf32>, vector<64x1024xf32> -> vector<82x1024xf32>
    %slice3A_137 = vector.extract_strided_slice %concatenate3A {offsets = [0, 6144], sizes = [18, 1024], strides = [1, 1]} : vector<18x8192xf32> to vector<18x1024xf32>
    %concatenate3A_138 = tpu.concatenate %slice3A_137, %convert_element_type3A_99 in 0 : vector<18x1024xf32>, vector<64x1024xf32> -> vector<82x1024xf32>
    %slice3A_139 = vector.extract_strided_slice %concatenate3A {offsets = [0, 7168], sizes = [18, 1024], strides = [1, 1]} : vector<18x8192xf32> to vector<18x1024xf32>
    %concatenate3A_140 = tpu.concatenate %slice3A_139, %convert_element_type3A_99 in 0 : vector<18x1024xf32>, vector<64x1024xf32> -> vector<82x1024xf32>
    %get3A_141 = arith.constant 0 : index
    %get3A_142 = arith.constant 0 : index
    %get3A_143 = vector.load %arg2[%get3A_141, %get3A_142] : memref<256x1xi32, #tpu.memory_space<vmem>>, vector<256x1xi32>
    %iota3A_144 = tpu.iota {dimensions = array<i32: 1>} : vector<1x128xi32>
    %eq3A_145 = vector.broadcast %get3A_143 : vector<256x1xi32> to vector<256x128xi32>
    %eq3A_146 = vector.broadcast %iota3A_144 : vector<1x128xi32> to vector<256x128xi32>
    %eq3A_147 = arith.cmpi eq, %eq3A_145, %eq3A_146 : vector<256x128xi32>
    %convert_element_type3A_148 = arith.extui %eq3A_147 : vector<256x128xi1> to vector<256x128xi32>
    %convert_element_type3A_149 = arith.sitofp %convert_element_type3A_148 : vector<256x128xi32> to vector<256x128xf32>
    %get3A_150 = arith.constant 0 : index
    %get3A_151 = arith.constant 0 : index
    %get3A_152 = vector.load %arg3[%get3A_150, %get3A_151] : memref<128x128xf32, #tpu.memory_space<vmem>>, vector<128x128xf32>
    %dot_general3A_153 = arith.constant dense<0.000000e+00> : vector<256x128xf32>
    %dot_general3A_154 = tpu.matmul %convert_element_type3A_149, %get3A_152, %dot_general3A_153 {dimension_numbers = #tpu.dot_dimension_numbers<[1], [0], [0], [1], [0, 0, 1, 1], [], []>, transpose_lhs_hint = false} : vector<256x128xf32>, vector<128x128xf32>, vector<256x128xf32> -> vector<256x128xf32>
    %get3A_155 = arith.constant 0 : index
    %get3A_156 = arith.constant 0 : index
    %get3A_157 = arith.constant 0 : index
    %get3A_158 = vector.load %arg4[%get3A_155, %get3A_156, %get3A_157] : memref<3x128x128xf32, #tpu.memory_space<vmem>>, vector<1x128x128xf32>
    %get3A_159 = vector.shape_cast %get3A_158 : vector<1x128x128xf32> to vector<128x128xf32>
    %dot_general3A_160 = arith.constant dense<0.000000e+00> : vector<256x128xf32>
    %dot_general3A_161 = tpu.matmul %dot_general3A_154, %get3A_159, %dot_general3A_160 {dimension_numbers = #tpu.dot_dimension_numbers<[1], [0], [0], [1], [0, 0, 1, 1], [], []>, transpose_lhs_hint = false} : vector<256x128xf32>, vector<128x128xf32>, vector<256x128xf32> -> vector<256x128xf32>
    %get3A_162 = arith.constant 0 : index
    %get3A_163 = arith.constant 0 : index
    %get3A_164 = arith.constant 0 : index
    %get3A_165 = vector.load %arg5[%get3A_162, %get3A_163, %get3A_164] : memref<3x128x128xf32, #tpu.memory_space<vmem>>, vector<1x128x128xf32>
    %get3A_166 = vector.shape_cast %get3A_165 : vector<1x128x128xf32> to vector<128x128xf32>
    %dot_general3A_167 = arith.constant dense<0.000000e+00> : vector<256x128xf32>
    %dot_general3A_168 = tpu.matmul %dot_general3A_154, %get3A_166, %dot_general3A_167 {dimension_numbers = #tpu.dot_dimension_numbers<[1], [0], [0], [1], [0, 0, 1, 1], [], []>, transpose_lhs_hint = false} : vector<256x128xf32>, vector<128x128xf32>, vector<256x128xf32> -> vector<256x128xf32>
    %get3A_169 = arith.constant 0 : index
    %get3A_170 = arith.constant 0 : index
    %get3A_171 = arith.constant 0 : index
    %get3A_172 = vector.load %arg6[%get3A_169, %get3A_170, %get3A_171] : memref<3x18x128xf32, #tpu.memory_space<vmem>>, vector<1x18x128xf32>
    %get3A_173 = vector.shape_cast %get3A_172 : vector<1x18x128xf32> to vector<18x128xf32>
    %slice3A_174 = vector.extract_strided_slice %dot_general3A_161 {offsets = [0, 0], sizes = [32, 128], strides = [1, 1]} : vector<256x128xf32> to vector<32x128xf32>
    %slice3A_175 = vector.extract_strided_slice %dot_general3A_168 {offsets = [0, 0], sizes = [32, 128], strides = [1, 1]} : vector<256x128xf32> to vector<32x128xf32>
    %concatenate3A_176 = tpu.concatenate %get3A_173, %slice3A_174, %slice3A_175 in 0 : vector<18x128xf32>, vector<32x128xf32>, vector<32x128xf32> -> vector<82x128xf32>
    %dot_general3A_177 = arith.constant dense<0.000000e+00> : vector<1024x128xf32>
    %dot_general3A_178 = tpu.matmul %concatenate3A_126, %concatenate3A_176, %dot_general3A_177 {dimension_numbers = #tpu.dot_dimension_numbers<[0], [0], [1], [1], [0, 1, 1, 1], [], []>, transpose_lhs_hint = false} : vector<82x1024xf32>, vector<82x128xf32>, vector<1024x128xf32> -> vector<1024x128xf32>
    %max3A = arith.constant 0.000000e+00 : f32
    %max3A_179 = vector.broadcast %max3A : f32 to vector<1024x128xf32>
    %max3A_180 = arith.maximumf %dot_general3A_178, %max3A_179 : vector<1024x128xf32>
    %get3A_181 = arith.constant 0 : index
    %get3A_182 = arith.constant 0 : index
    %get3A_183 = arith.constant 0 : index
    %get3A_184 = vector.load %arg7[%get3A_181, %get3A_182, %get3A_183] : memref<3x128x128xf32, #tpu.memory_space<vmem>>, vector<1x128x128xf32>
    %get3A_185 = vector.shape_cast %get3A_184 : vector<1x128x128xf32> to vector<128x128xf32>
    %dot_general3A_186 = arith.constant dense<0.000000e+00> : vector<1024x128xf32>
    %dot_general3A_187 = tpu.matmul %max3A_180, %get3A_185, %dot_general3A_186 {dimension_numbers = #tpu.dot_dimension_numbers<[1], [0], [0], [1], [0, 0, 1, 1], [], []>, transpose_lhs_hint = false} : vector<1024x128xf32>, vector<128x128xf32>, vector<1024x128xf32> -> vector<1024x128xf32>
    %get3A_188 = arith.constant 0 : index
    %get3A_189 = arith.constant 0 : index
    %get3A_190 = vector.load %arg8[%get3A_188, %get3A_189] : memref<3x128xf32, #tpu.memory_space<vmem>>, vector<1x128xf32>
    %add3A_191 = vector.broadcast %get3A_190 : vector<1x128xf32> to vector<1024x128xf32>
    %add3A_192 = arith.addf %dot_general3A_187, %add3A_191 : vector<1024x128xf32>
    %max3A_193 = arith.constant 0.000000e+00 : f32
    %max3A_194 = vector.broadcast %max3A_193 : f32 to vector<1024x128xf32>
    %max3A_195 = arith.maximumf %add3A_192, %max3A_194 : vector<1024x128xf32>
    %mul3A_196 = vector.broadcast %dot_general3A_103 : vector<1024x1xf32> to vector<1024x128xf32>
    %mul3A_197 = arith.mulf %max3A_195, %mul3A_196 : vector<1024x128xf32>
    %reshape3A = vector.shape_cast %mul3A_197 : vector<1024x128xf32> to vector<32x32x128xf32>
    %reduce_sum3A = arith.constant dense<0.000000e+00> : vector<32x128xf32>
    %reduce_sum3A_198 = vector.multi_reduction <add>, %reshape3A, %reduce_sum3A [1] : vector<32x32x128xf32> to vector<32x128xf32>
    %get3A_199 = arith.constant 0 : index
    %get3A_200 = arith.constant 0 : index
    %get3A_201 = arith.constant 0 : index
    %get3A_202 = vector.load %arg6[%get3A_199, %get3A_200, %get3A_201] : memref<3x18x128xf32, #tpu.memory_space<vmem>>, vector<1x18x128xf32>
    %get3A_203 = vector.shape_cast %get3A_202 : vector<1x18x128xf32> to vector<18x128xf32>
    %slice3A_204 = vector.extract_strided_slice %dot_general3A_161 {offsets = [32, 0], sizes = [32, 128], strides = [1, 1]} : vector<256x128xf32> to vector<32x128xf32>
    %slice3A_205 = vector.extract_strided_slice %dot_general3A_168 {offsets = [32, 0], sizes = [32, 128], strides = [1, 1]} : vector<256x128xf32> to vector<32x128xf32>
    %concatenate3A_206 = tpu.concatenate %get3A_203, %slice3A_204, %slice3A_205 in 0 : vector<18x128xf32>, vector<32x128xf32>, vector<32x128xf32> -> vector<82x128xf32>
    %dot_general3A_207 = arith.constant dense<0.000000e+00> : vector<1024x128xf32>
    %dot_general3A_208 = tpu.matmul %concatenate3A_128, %concatenate3A_206, %dot_general3A_207 {dimension_numbers = #tpu.dot_dimension_numbers<[0], [0], [1], [1], [0, 1, 1, 1], [], []>, transpose_lhs_hint = false} : vector<82x1024xf32>, vector<82x128xf32>, vector<1024x128xf32> -> vector<1024x128xf32>
    %max3A_209 = arith.constant 0.000000e+00 : f32
    %max3A_210 = vector.broadcast %max3A_209 : f32 to vector<1024x128xf32>
    %max3A_211 = arith.maximumf %dot_general3A_208, %max3A_210 : vector<1024x128xf32>
    %get3A_212 = arith.constant 0 : index
    %get3A_213 = arith.constant 0 : index
    %get3A_214 = arith.constant 0 : index
    %get3A_215 = vector.load %arg7[%get3A_212, %get3A_213, %get3A_214] : memref<3x128x128xf32, #tpu.memory_space<vmem>>, vector<1x128x128xf32>
    %get3A_216 = vector.shape_cast %get3A_215 : vector<1x128x128xf32> to vector<128x128xf32>
    %dot_general3A_217 = arith.constant dense<0.000000e+00> : vector<1024x128xf32>
    %dot_general3A_218 = tpu.matmul %max3A_211, %get3A_216, %dot_general3A_217 {dimension_numbers = #tpu.dot_dimension_numbers<[1], [0], [0], [1], [0, 0, 1, 1], [], []>, transpose_lhs_hint = false} : vector<1024x128xf32>, vector<128x128xf32>, vector<1024x128xf32> -> vector<1024x128xf32>
    %get3A_219 = arith.constant 0 : index
    %get3A_220 = arith.constant 0 : index
    %get3A_221 = vector.load %arg8[%get3A_219, %get3A_220] : memref<3x128xf32, #tpu.memory_space<vmem>>, vector<1x128xf32>
    %add3A_222 = vector.broadcast %get3A_221 : vector<1x128xf32> to vector<1024x128xf32>
    %add3A_223 = arith.addf %dot_general3A_218, %add3A_222 : vector<1024x128xf32>
    %max3A_224 = arith.constant 0.000000e+00 : f32
    %max3A_225 = vector.broadcast %max3A_224 : f32 to vector<1024x128xf32>
    %max3A_226 = arith.maximumf %add3A_223, %max3A_225 : vector<1024x128xf32>
    %mul3A_227 = vector.broadcast %dot_general3A_106 : vector<1024x1xf32> to vector<1024x128xf32>
    %mul3A_228 = arith.mulf %max3A_226, %mul3A_227 : vector<1024x128xf32>
    %reshape3A_229 = vector.shape_cast %mul3A_228 : vector<1024x128xf32> to vector<32x32x128xf32>
    %reduce_sum3A_230 = arith.constant dense<0.000000e+00> : vector<32x128xf32>
    %reduce_sum3A_231 = vector.multi_reduction <add>, %reshape3A_229, %reduce_sum3A_230 [1] : vector<32x32x128xf32> to vector<32x128xf32>
    %get3A_232 = arith.constant 0 : index
    %get3A_233 = arith.constant 0 : index
    %get3A_234 = arith.constant 0 : index
    %get3A_235 = vector.load %arg6[%get3A_232, %get3A_233, %get3A_234] : memref<3x18x128xf32, #tpu.memory_space<vmem>>, vector<1x18x128xf32>
    %get3A_236 = vector.shape_cast %get3A_235 : vector<1x18x128xf32> to vector<18x128xf32>
    %slice3A_237 = vector.extract_strided_slice %dot_general3A_161 {offsets = [64, 0], sizes = [32, 128], strides = [1, 1]} : vector<256x128xf32> to vector<32x128xf32>
    %slice3A_238 = vector.extract_strided_slice %dot_general3A_168 {offsets = [64, 0], sizes = [32, 128], strides = [1, 1]} : vector<256x128xf32> to vector<32x128xf32>
    %concatenate3A_239 = tpu.concatenate %get3A_236, %slice3A_237, %slice3A_238 in 0 : vector<18x128xf32>, vector<32x128xf32>, vector<32x128xf32> -> vector<82x128xf32>
    %dot_general3A_240 = arith.constant dense<0.000000e+00> : vector<1024x128xf32>
    %dot_general3A_241 = tpu.matmul %concatenate3A_130, %concatenate3A_239, %dot_general3A_240 {dimension_numbers = #tpu.dot_dimension_numbers<[0], [0], [1], [1], [0, 1, 1, 1], [], []>, transpose_lhs_hint = false} : vector<82x1024xf32>, vector<82x128xf32>, vector<1024x128xf32> -> vector<1024x128xf32>
    %max3A_242 = arith.constant 0.000000e+00 : f32
    %max3A_243 = vector.broadcast %max3A_242 : f32 to vector<1024x128xf32>
    %max3A_244 = arith.maximumf %dot_general3A_241, %max3A_243 : vector<1024x128xf32>
    %get3A_245 = arith.constant 0 : index
    %get3A_246 = arith.constant 0 : index
    %get3A_247 = arith.constant 0 : index
    %get3A_248 = vector.load %arg7[%get3A_245, %get3A_246, %get3A_247] : memref<3x128x128xf32, #tpu.memory_space<vmem>>, vector<1x128x128xf32>
    %get3A_249 = vector.shape_cast %get3A_248 : vector<1x128x128xf32> to vector<128x128xf32>
    %dot_general3A_250 = arith.constant dense<0.000000e+00> : vector<1024x128xf32>
    %dot_general3A_251 = tpu.matmul %max3A_244, %get3A_249, %dot_general3A_250 {dimension_numbers = #tpu.dot_dimension_numbers<[1], [0], [0], [1], [0, 0, 1, 1], [], []>, transpose_lhs_hint = false} : vector<1024x128xf32>, vector<128x128xf32>, vector<1024x128xf32> -> vector<1024x128xf32>
    %get3A_252 = arith.constant 0 : index
    %get3A_253 = arith.constant 0 : index
    %get3A_254 = vector.load %arg8[%get3A_252, %get3A_253] : memref<3x128xf32, #tpu.memory_space<vmem>>, vector<1x128xf32>
    %add3A_255 = vector.broadcast %get3A_254 : vector<1x128xf32> to vector<1024x128xf32>
    %add3A_256 = arith.addf %dot_general3A_251, %add3A_255 : vector<1024x128xf32>
    %max3A_257 = arith.constant 0.000000e+00 : f32
    %max3A_258 = vector.broadcast %max3A_257 : f32 to vector<1024x128xf32>
    %max3A_259 = arith.maximumf %add3A_256, %max3A_258 : vector<1024x128xf32>
    %mul3A_260 = vector.broadcast %dot_general3A_109 : vector<1024x1xf32> to vector<1024x128xf32>
    %mul3A_261 = arith.mulf %max3A_259, %mul3A_260 : vector<1024x128xf32>
    %reshape3A_262 = vector.shape_cast %mul3A_261 : vector<1024x128xf32> to vector<32x32x128xf32>
    %reduce_sum3A_263 = arith.constant dense<0.000000e+00> : vector<32x128xf32>
    %reduce_sum3A_264 = vector.multi_reduction <add>, %reshape3A_262, %reduce_sum3A_263 [1] : vector<32x32x128xf32> to vector<32x128xf32>
    %get3A_265 = arith.constant 0 : index
    %get3A_266 = arith.constant 0 : index
    %get3A_267 = arith.constant 0 : index
    %get3A_268 = vector.load %arg6[%get3A_265, %get3A_266, %get3A_267] : memref<3x18x128xf32, #tpu.memory_space<vmem>>, vector<1x18x128xf32>
    %get3A_269 = vector.shape_cast %get3A_268 : vector<1x18x128xf32> to vector<18x128xf32>
    %slice3A_270 = vector.extract_strided_slice %dot_general3A_161 {offsets = [96, 0], sizes = [32, 128], strides = [1, 1]} : vector<256x128xf32> to vector<32x128xf32>
    %slice3A_271 = vector.extract_strided_slice %dot_general3A_168 {offsets = [96, 0], sizes = [32, 128], strides = [1, 1]} : vector<256x128xf32> to vector<32x128xf32>
    %concatenate3A_272 = tpu.concatenate %get3A_269, %slice3A_270, %slice3A_271 in 0 : vector<18x128xf32>, vector<32x128xf32>, vector<32x128xf32> -> vector<82x128xf32>
    %dot_general3A_273 = arith.constant dense<0.000000e+00> : vector<1024x128xf32>
    %dot_general3A_274 = tpu.matmul %concatenate3A_132, %concatenate3A_272, %dot_general3A_273 {dimension_numbers = #tpu.dot_dimension_numbers<[0], [0], [1], [1], [0, 1, 1, 1], [], []>, transpose_lhs_hint = false} : vector<82x1024xf32>, vector<82x128xf32>, vector<1024x128xf32> -> vector<1024x128xf32>
    %max3A_275 = arith.constant 0.000000e+00 : f32
    %max3A_276 = vector.broadcast %max3A_275 : f32 to vector<1024x128xf32>
    %max3A_277 = arith.maximumf %dot_general3A_274, %max3A_276 : vector<1024x128xf32>
    %get3A_278 = arith.constant 0 : index
    %get3A_279 = arith.constant 0 : index
    %get3A_280 = arith.constant 0 : index
    %get3A_281 = vector.load %arg7[%get3A_278, %get3A_279, %get3A_280] : memref<3x128x128xf32, #tpu.memory_space<vmem>>, vector<1x128x128xf32>
    %get3A_282 = vector.shape_cast %get3A_281 : vector<1x128x128xf32> to vector<128x128xf32>
    %dot_general3A_283 = arith.constant dense<0.000000e+00> : vector<1024x128xf32>
    %dot_general3A_284 = tpu.matmul %max3A_277, %get3A_282, %dot_general3A_283 {dimension_numbers = #tpu.dot_dimension_numbers<[1], [0], [0], [1], [0, 0, 1, 1], [], []>, transpose_lhs_hint = false} : vector<1024x128xf32>, vector<128x128xf32>, vector<1024x128xf32> -> vector<1024x128xf32>
    %get3A_285 = arith.constant 0 : index
    %get3A_286 = arith.constant 0 : index
    %get3A_287 = vector.load %arg8[%get3A_285, %get3A_286] : memref<3x128xf32, #tpu.memory_space<vmem>>, vector<1x128xf32>
    %add3A_288 = vector.broadcast %get3A_287 : vector<1x128xf32> to vector<1024x128xf32>
    %add3A_289 = arith.addf %dot_general3A_284, %add3A_288 : vector<1024x128xf32>
    %max3A_290 = arith.constant 0.000000e+00 : f32
    %max3A_291 = vector.broadcast %max3A_290 : f32 to vector<1024x128xf32>
    %max3A_292 = arith.maximumf %add3A_289, %max3A_291 : vector<1024x128xf32>
    %mul3A_293 = vector.broadcast %dot_general3A_112 : vector<1024x1xf32> to vector<1024x128xf32>
    %mul3A_294 = arith.mulf %max3A_292, %mul3A_293 : vector<1024x128xf32>
    %reshape3A_295 = vector.shape_cast %mul3A_294 : vector<1024x128xf32> to vector<32x32x128xf32>
    %reduce_sum3A_296 = arith.constant dense<0.000000e+00> : vector<32x128xf32>
    %reduce_sum3A_297 = vector.multi_reduction <add>, %reshape3A_295, %reduce_sum3A_296 [1] : vector<32x32x128xf32> to vector<32x128xf32>
    %get3A_298 = arith.constant 0 : index
    %get3A_299 = arith.constant 0 : index
    %get3A_300 = arith.constant 0 : index
    %get3A_301 = vector.load %arg6[%get3A_298, %get3A_299, %get3A_300] : memref<3x18x128xf32, #tpu.memory_space<vmem>>, vector<1x18x128xf32>
    %get3A_302 = vector.shape_cast %get3A_301 : vector<1x18x128xf32> to vector<18x128xf32>
    %slice3A_303 = vector.extract_strided_slice %dot_general3A_161 {offsets = [128, 0], sizes = [32, 128], strides = [1, 1]} : vector<256x128xf32> to vector<32x128xf32>
    %slice3A_304 = vector.extract_strided_slice %dot_general3A_168 {offsets = [128, 0], sizes = [32, 128], strides = [1, 1]} : vector<256x128xf32> to vector<32x128xf32>
    %concatenate3A_305 = tpu.concatenate %get3A_302, %slice3A_303, %slice3A_304 in 0 : vector<18x128xf32>, vector<32x128xf32>, vector<32x128xf32> -> vector<82x128xf32>
    %dot_general3A_306 = arith.constant dense<0.000000e+00> : vector<1024x128xf32>
    %dot_general3A_307 = tpu.matmul %concatenate3A_134, %concatenate3A_305, %dot_general3A_306 {dimension_numbers = #tpu.dot_dimension_numbers<[0], [0], [1], [1], [0, 1, 1, 1], [], []>, transpose_lhs_hint = false} : vector<82x1024xf32>, vector<82x128xf32>, vector<1024x128xf32> -> vector<1024x128xf32>
    %max3A_308 = arith.constant 0.000000e+00 : f32
    %max3A_309 = vector.broadcast %max3A_308 : f32 to vector<1024x128xf32>
    %max3A_310 = arith.maximumf %dot_general3A_307, %max3A_309 : vector<1024x128xf32>
    %get3A_311 = arith.constant 0 : index
    %get3A_312 = arith.constant 0 : index
    %get3A_313 = arith.constant 0 : index
    %get3A_314 = vector.load %arg7[%get3A_311, %get3A_312, %get3A_313] : memref<3x128x128xf32, #tpu.memory_space<vmem>>, vector<1x128x128xf32>
    %get3A_315 = vector.shape_cast %get3A_314 : vector<1x128x128xf32> to vector<128x128xf32>
    %dot_general3A_316 = arith.constant dense<0.000000e+00> : vector<1024x128xf32>
    %dot_general3A_317 = tpu.matmul %max3A_310, %get3A_315, %dot_general3A_316 {dimension_numbers = #tpu.dot_dimension_numbers<[1], [0], [0], [1], [0, 0, 1, 1], [], []>, transpose_lhs_hint = false} : vector<1024x128xf32>, vector<128x128xf32>, vector<1024x128xf32> -> vector<1024x128xf32>
    %get3A_318 = arith.constant 0 : index
    %get3A_319 = arith.constant 0 : index
    %get3A_320 = vector.load %arg8[%get3A_318, %get3A_319] : memref<3x128xf32, #tpu.memory_space<vmem>>, vector<1x128xf32>
    %add3A_321 = vector.broadcast %get3A_320 : vector<1x128xf32> to vector<1024x128xf32>
    %add3A_322 = arith.addf %dot_general3A_317, %add3A_321 : vector<1024x128xf32>
    %max3A_323 = arith.constant 0.000000e+00 : f32
    %max3A_324 = vector.broadcast %max3A_323 : f32 to vector<1024x128xf32>
    %max3A_325 = arith.maximumf %add3A_322, %max3A_324 : vector<1024x128xf32>
    %mul3A_326 = vector.broadcast %dot_general3A_115 : vector<1024x1xf32> to vector<1024x128xf32>
    %mul3A_327 = arith.mulf %max3A_325, %mul3A_326 : vector<1024x128xf32>
    %reshape3A_328 = vector.shape_cast %mul3A_327 : vector<1024x128xf32> to vector<32x32x128xf32>
    %reduce_sum3A_329 = arith.constant dense<0.000000e+00> : vector<32x128xf32>
    %reduce_sum3A_330 = vector.multi_reduction <add>, %reshape3A_328, %reduce_sum3A_329 [1] : vector<32x32x128xf32> to vector<32x128xf32>
    %get3A_331 = arith.constant 0 : index
    %get3A_332 = arith.constant 0 : index
    %get3A_333 = arith.constant 0 : index
    %get3A_334 = vector.load %arg6[%get3A_331, %get3A_332, %get3A_333] : memref<3x18x128xf32, #tpu.memory_space<vmem>>, vector<1x18x128xf32>
    %get3A_335 = vector.shape_cast %get3A_334 : vector<1x18x128xf32> to vector<18x128xf32>
    %slice3A_336 = vector.extract_strided_slice %dot_general3A_161 {offsets = [160, 0], sizes = [32, 128], strides = [1, 1]} : vector<256x128xf32> to vector<32x128xf32>
    %slice3A_337 = vector.extract_strided_slice %dot_general3A_168 {offsets = [160, 0], sizes = [32, 128], strides = [1, 1]} : vector<256x128xf32> to vector<32x128xf32>
    %concatenate3A_338 = tpu.concatenate %get3A_335, %slice3A_336, %slice3A_337 in 0 : vector<18x128xf32>, vector<32x128xf32>, vector<32x128xf32> -> vector<82x128xf32>
    %dot_general3A_339 = arith.constant dense<0.000000e+00> : vector<1024x128xf32>
    %dot_general3A_340 = tpu.matmul %concatenate3A_136, %concatenate3A_338, %dot_general3A_339 {dimension_numbers = #tpu.dot_dimension_numbers<[0], [0], [1], [1], [0, 1, 1, 1], [], []>, transpose_lhs_hint = false} : vector<82x1024xf32>, vector<82x128xf32>, vector<1024x128xf32> -> vector<1024x128xf32>
    %max3A_341 = arith.constant 0.000000e+00 : f32
    %max3A_342 = vector.broadcast %max3A_341 : f32 to vector<1024x128xf32>
    %max3A_343 = arith.maximumf %dot_general3A_340, %max3A_342 : vector<1024x128xf32>
    %get3A_344 = arith.constant 0 : index
    %get3A_345 = arith.constant 0 : index
    %get3A_346 = arith.constant 0 : index
    %get3A_347 = vector.load %arg7[%get3A_344, %get3A_345, %get3A_346] : memref<3x128x128xf32, #tpu.memory_space<vmem>>, vector<1x128x128xf32>
    %get3A_348 = vector.shape_cast %get3A_347 : vector<1x128x128xf32> to vector<128x128xf32>
    %dot_general3A_349 = arith.constant dense<0.000000e+00> : vector<1024x128xf32>
    %dot_general3A_350 = tpu.matmul %max3A_343, %get3A_348, %dot_general3A_349 {dimension_numbers = #tpu.dot_dimension_numbers<[1], [0], [0], [1], [0, 0, 1, 1], [], []>, transpose_lhs_hint = false} : vector<1024x128xf32>, vector<128x128xf32>, vector<1024x128xf32> -> vector<1024x128xf32>
    %get3A_351 = arith.constant 0 : index
    %get3A_352 = arith.constant 0 : index
    %get3A_353 = vector.load %arg8[%get3A_351, %get3A_352] : memref<3x128xf32, #tpu.memory_space<vmem>>, vector<1x128xf32>
    %add3A_354 = vector.broadcast %get3A_353 : vector<1x128xf32> to vector<1024x128xf32>
    %add3A_355 = arith.addf %dot_general3A_350, %add3A_354 : vector<1024x128xf32>
    %max3A_356 = arith.constant 0.000000e+00 : f32
    %max3A_357 = vector.broadcast %max3A_356 : f32 to vector<1024x128xf32>
    %max3A_358 = arith.maximumf %add3A_355, %max3A_357 : vector<1024x128xf32>
    %mul3A_359 = vector.broadcast %dot_general3A_118 : vector<1024x1xf32> to vector<1024x128xf32>
    %mul3A_360 = arith.mulf %max3A_358, %mul3A_359 : vector<1024x128xf32>
    %reshape3A_361 = vector.shape_cast %mul3A_360 : vector<1024x128xf32> to vector<32x32x128xf32>
    %reduce_sum3A_362 = arith.constant dense<0.000000e+00> : vector<32x128xf32>
    %reduce_sum3A_363 = vector.multi_reduction <add>, %reshape3A_361, %reduce_sum3A_362 [1] : vector<32x32x128xf32> to vector<32x128xf32>
    %get3A_364 = arith.constant 0 : index
    %get3A_365 = arith.constant 0 : index
    %get3A_366 = arith.constant 0 : index
    %get3A_367 = vector.load %arg6[%get3A_364, %get3A_365, %get3A_366] : memref<3x18x128xf32, #tpu.memory_space<vmem>>, vector<1x18x128xf32>
    %get3A_368 = vector.shape_cast %get3A_367 : vector<1x18x128xf32> to vector<18x128xf32>
    %slice3A_369 = vector.extract_strided_slice %dot_general3A_161 {offsets = [192, 0], sizes = [32, 128], strides = [1, 1]} : vector<256x128xf32> to vector<32x128xf32>
    %slice3A_370 = vector.extract_strided_slice %dot_general3A_168 {offsets = [192, 0], sizes = [32, 128], strides = [1, 1]} : vector<256x128xf32> to vector<32x128xf32>
    %concatenate3A_371 = tpu.concatenate %get3A_368, %slice3A_369, %slice3A_370 in 0 : vector<18x128xf32>, vector<32x128xf32>, vector<32x128xf32> -> vector<82x128xf32>
    %dot_general3A_372 = arith.constant dense<0.000000e+00> : vector<1024x128xf32>
    %dot_general3A_373 = tpu.matmul %concatenate3A_138, %concatenate3A_371, %dot_general3A_372 {dimension_numbers = #tpu.dot_dimension_numbers<[0], [0], [1], [1], [0, 1, 1, 1], [], []>, transpose_lhs_hint = false} : vector<82x1024xf32>, vector<82x128xf32>, vector<1024x128xf32> -> vector<1024x128xf32>
    %max3A_374 = arith.constant 0.000000e+00 : f32
    %max3A_375 = vector.broadcast %max3A_374 : f32 to vector<1024x128xf32>
    %max3A_376 = arith.maximumf %dot_general3A_373, %max3A_375 : vector<1024x128xf32>
    %get3A_377 = arith.constant 0 : index
    %get3A_378 = arith.constant 0 : index
    %get3A_379 = arith.constant 0 : index
    %get3A_380 = vector.load %arg7[%get3A_377, %get3A_378, %get3A_379] : memref<3x128x128xf32, #tpu.memory_space<vmem>>, vector<1x128x128xf32>
    %get3A_381 = vector.shape_cast %get3A_380 : vector<1x128x128xf32> to vector<128x128xf32>
    %dot_general3A_382 = arith.constant dense<0.000000e+00> : vector<1024x128xf32>
    %dot_general3A_383 = tpu.matmul %max3A_376, %get3A_381, %dot_general3A_382 {dimension_numbers = #tpu.dot_dimension_numbers<[1], [0], [0], [1], [0, 0, 1, 1], [], []>, transpose_lhs_hint = false} : vector<1024x128xf32>, vector<128x128xf32>, vector<1024x128xf32> -> vector<1024x128xf32>
    %get3A_384 = arith.constant 0 : index
    %get3A_385 = arith.constant 0 : index
    %get3A_386 = vector.load %arg8[%get3A_384, %get3A_385] : memref<3x128xf32, #tpu.memory_space<vmem>>, vector<1x128xf32>
    %add3A_387 = vector.broadcast %get3A_386 : vector<1x128xf32> to vector<1024x128xf32>
    %add3A_388 = arith.addf %dot_general3A_383, %add3A_387 : vector<1024x128xf32>
    %max3A_389 = arith.constant 0.000000e+00 : f32
    %max3A_390 = vector.broadcast %max3A_389 : f32 to vector<1024x128xf32>
    %max3A_391 = arith.maximumf %add3A_388, %max3A_390 : vector<1024x128xf32>
    %mul3A_392 = vector.broadcast %dot_general3A_121 : vector<1024x1xf32> to vector<1024x128xf32>
    %mul3A_393 = arith.mulf %max3A_391, %mul3A_392 : vector<1024x128xf32>
    %reshape3A_394 = vector.shape_cast %mul3A_393 : vector<1024x128xf32> to vector<32x32x128xf32>
    %reduce_sum3A_395 = arith.constant dense<0.000000e+00> : vector<32x128xf32>
    %reduce_sum3A_396 = vector.multi_reduction <add>, %reshape3A_394, %reduce_sum3A_395 [1] : vector<32x32x128xf32> to vector<32x128xf32>
    %get3A_397 = arith.constant 0 : index
    %get3A_398 = arith.constant 0 : index
    %get3A_399 = arith.constant 0 : index
    %get3A_400 = vector.load %arg6[%get3A_397, %get3A_398, %get3A_399] : memref<3x18x128xf32, #tpu.memory_space<vmem>>, vector<1x18x128xf32>
    %get3A_401 = vector.shape_cast %get3A_400 : vector<1x18x128xf32> to vector<18x128xf32>
    %slice3A_402 = vector.extract_strided_slice %dot_general3A_161 {offsets = [224, 0], sizes = [32, 128], strides = [1, 1]} : vector<256x128xf32> to vector<32x128xf32>
    %slice3A_403 = vector.extract_strided_slice %dot_general3A_168 {offsets = [224, 0], sizes = [32, 128], strides = [1, 1]} : vector<256x128xf32> to vector<32x128xf32>
    %concatenate3A_404 = tpu.concatenate %get3A_401, %slice3A_402, %slice3A_403 in 0 : vector<18x128xf32>, vector<32x128xf32>, vector<32x128xf32> -> vector<82x128xf32>
    %dot_general3A_405 = arith.constant dense<0.000000e+00> : vector<1024x128xf32>
    %dot_general3A_406 = tpu.matmul %concatenate3A_140, %concatenate3A_404, %dot_general3A_405 {dimension_numbers = #tpu.dot_dimension_numbers<[0], [0], [1], [1], [0, 1, 1, 1], [], []>, transpose_lhs_hint = false} : vector<82x1024xf32>, vector<82x128xf32>, vector<1024x128xf32> -> vector<1024x128xf32>
    %max3A_407 = arith.constant 0.000000e+00 : f32
    %max3A_408 = vector.broadcast %max3A_407 : f32 to vector<1024x128xf32>
    %max3A_409 = arith.maximumf %dot_general3A_406, %max3A_408 : vector<1024x128xf32>
    %get3A_410 = arith.constant 0 : index
    %get3A_411 = arith.constant 0 : index
    %get3A_412 = arith.constant 0 : index
    %get3A_413 = vector.load %arg7[%get3A_410, %get3A_411, %get3A_412] : memref<3x128x128xf32, #tpu.memory_space<vmem>>, vector<1x128x128xf32>
    %get3A_414 = vector.shape_cast %get3A_413 : vector<1x128x128xf32> to vector<128x128xf32>
    %dot_general3A_415 = arith.constant dense<0.000000e+00> : vector<1024x128xf32>
    %dot_general3A_416 = tpu.matmul %max3A_409, %get3A_414, %dot_general3A_415 {dimension_numbers = #tpu.dot_dimension_numbers<[1], [0], [0], [1], [0, 0, 1, 1], [], []>, transpose_lhs_hint = false} : vector<1024x128xf32>, vector<128x128xf32>, vector<1024x128xf32> -> vector<1024x128xf32>
    %get3A_417 = arith.constant 0 : index
    %get3A_418 = arith.constant 0 : index
    %get3A_419 = vector.load %arg8[%get3A_417, %get3A_418] : memref<3x128xf32, #tpu.memory_space<vmem>>, vector<1x128xf32>
    %add3A_420 = vector.broadcast %get3A_419 : vector<1x128xf32> to vector<1024x128xf32>
    %add3A_421 = arith.addf %dot_general3A_416, %add3A_420 : vector<1024x128xf32>
    %max3A_422 = arith.constant 0.000000e+00 : f32
    %max3A_423 = vector.broadcast %max3A_422 : f32 to vector<1024x128xf32>
    %max3A_424 = arith.maximumf %add3A_421, %max3A_423 : vector<1024x128xf32>
    %mul3A_425 = vector.broadcast %dot_general3A_124 : vector<1024x1xf32> to vector<1024x128xf32>
    %mul3A_426 = arith.mulf %max3A_424, %mul3A_425 : vector<1024x128xf32>
    %reshape3A_427 = vector.shape_cast %mul3A_426 : vector<1024x128xf32> to vector<32x32x128xf32>
    %reduce_sum3A_428 = arith.constant dense<0.000000e+00> : vector<32x128xf32>
    %reduce_sum3A_429 = vector.multi_reduction <add>, %reshape3A_427, %reduce_sum3A_428 [1] : vector<32x32x128xf32> to vector<32x128xf32>
    %concatenate3A_430 = tpu.concatenate %reduce_sum3A_198, %reduce_sum3A_231, %reduce_sum3A_264, %reduce_sum3A_297, %reduce_sum3A_330, %reduce_sum3A_363, %reduce_sum3A_396, %reduce_sum3A_429 in 0 : vector<32x128xf32>, vector<32x128xf32>, vector<32x128xf32>, vector<32x128xf32>, vector<32x128xf32>, vector<32x128xf32>, vector<32x128xf32>, vector<32x128xf32> -> vector<256x128xf32>
    %get3A_431 = arith.constant 0 : index
    %get3A_432 = arith.constant 0 : index
    %get3A_433 = arith.constant 0 : index
    %get3A_434 = vector.load %arg9[%get3A_431, %get3A_432, %get3A_433] : memref<3x128x128xf32, #tpu.memory_space<vmem>>, vector<1x128x128xf32>
    %get3A_435 = vector.shape_cast %get3A_434 : vector<1x128x128xf32> to vector<128x128xf32>
    %dot_general3A_436 = arith.constant dense<0.000000e+00> : vector<256x128xf32>
    %dot_general3A_437 = tpu.matmul %dot_general3A_154, %get3A_435, %dot_general3A_436 {dimension_numbers = #tpu.dot_dimension_numbers<[1], [0], [0], [1], [0, 0, 1, 1], [], []>, transpose_lhs_hint = false} : vector<256x128xf32>, vector<128x128xf32>, vector<256x128xf32> -> vector<256x128xf32>
    %get3A_438 = arith.constant 0 : index
    %get3A_439 = arith.constant 0 : index
    %get3A_440 = arith.constant 0 : index
    %get3A_441 = vector.load %arg10[%get3A_438, %get3A_439, %get3A_440] : memref<3x128x128xf32, #tpu.memory_space<vmem>>, vector<1x128x128xf32>
    %get3A_442 = vector.shape_cast %get3A_441 : vector<1x128x128xf32> to vector<128x128xf32>
    %dot_general3A_443 = arith.constant dense<0.000000e+00> : vector<256x128xf32>
    %dot_general3A_444 = tpu.matmul %concatenate3A_430, %get3A_442, %dot_general3A_443 {dimension_numbers = #tpu.dot_dimension_numbers<[1], [0], [0], [1], [0, 0, 1, 1], [], []>, transpose_lhs_hint = false} : vector<256x128xf32>, vector<128x128xf32>, vector<256x128xf32> -> vector<256x128xf32>
    %add3A_445 = arith.addf %dot_general3A_437, %dot_general3A_444 : vector<256x128xf32>
    %get3A_446 = arith.constant 0 : index
    %get3A_447 = arith.constant 0 : index
    %get3A_448 = vector.load %arg11[%get3A_446, %get3A_447] : memref<3x128xf32, #tpu.memory_space<vmem>>, vector<1x128xf32>
    %add3A_449 = vector.broadcast %get3A_448 : vector<1x128xf32> to vector<256x128xf32>
    %add3A_450 = arith.addf %add3A_445, %add3A_449 : vector<256x128xf32>
    %max3A_451 = arith.constant 0.000000e+00 : f32
    %max3A_452 = vector.broadcast %max3A_451 : f32 to vector<256x128xf32>
    %max3A_453 = arith.maximumf %add3A_450, %max3A_452 : vector<256x128xf32>
    %get3A_454 = arith.constant 0 : index
    %get3A_455 = arith.constant 0 : index
    %get3A_456 = arith.constant 0 : index
    %get3A_457 = vector.load %arg12[%get3A_454, %get3A_455, %get3A_456] : memref<3x128x128xf32, #tpu.memory_space<vmem>>, vector<1x128x128xf32>
    %get3A_458 = vector.shape_cast %get3A_457 : vector<1x128x128xf32> to vector<128x128xf32>
    %dot_general3A_459 = arith.constant dense<0.000000e+00> : vector<256x128xf32>
    %dot_general3A_460 = tpu.matmul %max3A_453, %get3A_458, %dot_general3A_459 {dimension_numbers = #tpu.dot_dimension_numbers<[1], [0], [0], [1], [0, 0, 1, 1], [], []>, transpose_lhs_hint = false} : vector<256x128xf32>, vector<128x128xf32>, vector<256x128xf32> -> vector<256x128xf32>
    %get3A_461 = arith.constant 0 : index
    %get3A_462 = arith.constant 0 : index
    %get3A_463 = vector.load %arg13[%get3A_461, %get3A_462] : memref<3x128xf32, #tpu.memory_space<vmem>>, vector<1x128xf32>
    %add3A_464 = vector.broadcast %get3A_463 : vector<1x128xf32> to vector<256x128xf32>
    %add3A_465 = arith.addf %dot_general3A_460, %add3A_464 : vector<256x128xf32>
    %mul3A_466 = arith.constant 2.000000e+00 : f32
    %mul3A_467 = vector.broadcast %mul3A_466 : f32 to vector<256x128xf32>
    %mul3A_468 = arith.mulf %mul3A_467, %dot_general3A_154 : vector<256x128xf32>
    %add3A_469 = arith.addf %mul3A_468, %add3A_465 : vector<256x128xf32>
    %get3A_470 = arith.constant 1 : index
    %get3A_471 = arith.constant 0 : index
    %get3A_472 = arith.constant 0 : index
    %get3A_473 = vector.load %arg4[%get3A_470, %get3A_471, %get3A_472] : memref<3x128x128xf32, #tpu.memory_space<vmem>>, vector<1x128x128xf32>
    %get3A_474 = vector.shape_cast %get3A_473 : vector<1x128x128xf32> to vector<128x128xf32>
    %dot_general3A_475 = arith.constant dense<0.000000e+00> : vector<256x128xf32>
    %dot_general3A_476 = tpu.matmul %add3A_469, %get3A_474, %dot_general3A_475 {dimension_numbers = #tpu.dot_dimension_numbers<[1], [0], [0], [1], [0, 0, 1, 1], [], []>, transpose_lhs_hint = false} : vector<256x128xf32>, vector<128x128xf32>, vector<256x128xf32> -> vector<256x128xf32>
    %get3A_477 = arith.constant 1 : index
    %get3A_478 = arith.constant 0 : index
    %get3A_479 = arith.constant 0 : index
    %get3A_480 = vector.load %arg5[%get3A_477, %get3A_478, %get3A_479] : memref<3x128x128xf32, #tpu.memory_space<vmem>>, vector<1x128x128xf32>
    %get3A_481 = vector.shape_cast %get3A_480 : vector<1x128x128xf32> to vector<128x128xf32>
    %dot_general3A_482 = arith.constant dense<0.000000e+00> : vector<256x128xf32>
    %dot_general3A_483 = tpu.matmul %add3A_469, %get3A_481, %dot_general3A_482 {dimension_numbers = #tpu.dot_dimension_numbers<[1], [0], [0], [1], [0, 0, 1, 1], [], []>, transpose_lhs_hint = false} : vector<256x128xf32>, vector<128x128xf32>, vector<256x128xf32> -> vector<256x128xf32>
    %get3A_484 = arith.constant 1 : index
    %get3A_485 = arith.constant 0 : index
    %get3A_486 = arith.constant 0 : index
    %get3A_487 = vector.load %arg6[%get3A_484, %get3A_485, %get3A_486] : memref<3x18x128xf32, #tpu.memory_space<vmem>>, vector<1x18x128xf32>
    %get3A_488 = vector.shape_cast %get3A_487 : vector<1x18x128xf32> to vector<18x128xf32>
    %slice3A_489 = vector.extract_strided_slice %dot_general3A_476 {offsets = [0, 0], sizes = [32, 128], strides = [1, 1]} : vector<256x128xf32> to vector<32x128xf32>
    %slice3A_490 = vector.extract_strided_slice %dot_general3A_483 {offsets = [0, 0], sizes = [32, 128], strides = [1, 1]} : vector<256x128xf32> to vector<32x128xf32>
    %concatenate3A_491 = tpu.concatenate %get3A_488, %slice3A_489, %slice3A_490 in 0 : vector<18x128xf32>, vector<32x128xf32>, vector<32x128xf32> -> vector<82x128xf32>
    %dot_general3A_492 = arith.constant dense<0.000000e+00> : vector<1024x128xf32>
    %dot_general3A_493 = tpu.matmul %concatenate3A_126, %concatenate3A_491, %dot_general3A_492 {dimension_numbers = #tpu.dot_dimension_numbers<[0], [0], [1], [1], [0, 1, 1, 1], [], []>, transpose_lhs_hint = false} : vector<82x1024xf32>, vector<82x128xf32>, vector<1024x128xf32> -> vector<1024x128xf32>
    %max3A_494 = arith.constant 0.000000e+00 : f32
    %max3A_495 = vector.broadcast %max3A_494 : f32 to vector<1024x128xf32>
    %max3A_496 = arith.maximumf %dot_general3A_493, %max3A_495 : vector<1024x128xf32>
    %get3A_497 = arith.constant 1 : index
    %get3A_498 = arith.constant 0 : index
    %get3A_499 = arith.constant 0 : index
    %get3A_500 = vector.load %arg7[%get3A_497, %get3A_498, %get3A_499] : memref<3x128x128xf32, #tpu.memory_space<vmem>>, vector<1x128x128xf32>
    %get3A_501 = vector.shape_cast %get3A_500 : vector<1x128x128xf32> to vector<128x128xf32>
    %dot_general3A_502 = arith.constant dense<0.000000e+00> : vector<1024x128xf32>
    %dot_general3A_503 = tpu.matmul %max3A_496, %get3A_501, %dot_general3A_502 {dimension_numbers = #tpu.dot_dimension_numbers<[1], [0], [0], [1], [0, 0, 1, 1], [], []>, transpose_lhs_hint = false} : vector<1024x128xf32>, vector<128x128xf32>, vector<1024x128xf32> -> vector<1024x128xf32>
    %get3A_504 = arith.constant 1 : index
    %get3A_505 = arith.constant 0 : index
    %get3A_506 = vector.load %arg8[%get3A_504, %get3A_505] : memref<3x128xf32, #tpu.memory_space<vmem>>, vector<1x128xf32>
    %add3A_507 = vector.broadcast %get3A_506 : vector<1x128xf32> to vector<1024x128xf32>
    %add3A_508 = arith.addf %dot_general3A_503, %add3A_507 : vector<1024x128xf32>
    %max3A_509 = arith.constant 0.000000e+00 : f32
    %max3A_510 = vector.broadcast %max3A_509 : f32 to vector<1024x128xf32>
    %max3A_511 = arith.maximumf %add3A_508, %max3A_510 : vector<1024x128xf32>
    %mul3A_512 = vector.broadcast %dot_general3A_103 : vector<1024x1xf32> to vector<1024x128xf32>
    %mul3A_513 = arith.mulf %max3A_511, %mul3A_512 : vector<1024x128xf32>
    %reshape3A_514 = vector.shape_cast %mul3A_513 : vector<1024x128xf32> to vector<32x32x128xf32>
    %reduce_sum3A_515 = arith.constant dense<0.000000e+00> : vector<32x128xf32>
    %reduce_sum3A_516 = vector.multi_reduction <add>, %reshape3A_514, %reduce_sum3A_515 [1] : vector<32x32x128xf32> to vector<32x128xf32>
    %get3A_517 = arith.constant 1 : index
    %get3A_518 = arith.constant 0 : index
    %get3A_519 = arith.constant 0 : index
    %get3A_520 = vector.load %arg6[%get3A_517, %get3A_518, %get3A_519] : memref<3x18x128xf32, #tpu.memory_space<vmem>>, vector<1x18x128xf32>
    %get3A_521 = vector.shape_cast %get3A_520 : vector<1x18x128xf32> to vector<18x128xf32>
    %slice3A_522 = vector.extract_strided_slice %dot_general3A_476 {offsets = [32, 0], sizes = [32, 128], strides = [1, 1]} : vector<256x128xf32> to vector<32x128xf32>
    %slice3A_523 = vector.extract_strided_slice %dot_general3A_483 {offsets = [32, 0], sizes = [32, 128], strides = [1, 1]} : vector<256x128xf32> to vector<32x128xf32>
    %concatenate3A_524 = tpu.concatenate %get3A_521, %slice3A_522, %slice3A_523 in 0 : vector<18x128xf32>, vector<32x128xf32>, vector<32x128xf32> -> vector<82x128xf32>
    %dot_general3A_525 = arith.constant dense<0.000000e+00> : vector<1024x128xf32>
    %dot_general3A_526 = tpu.matmul %concatenate3A_128, %concatenate3A_524, %dot_general3A_525 {dimension_numbers = #tpu.dot_dimension_numbers<[0], [0], [1], [1], [0, 1, 1, 1], [], []>, transpose_lhs_hint = false} : vector<82x1024xf32>, vector<82x128xf32>, vector<1024x128xf32> -> vector<1024x128xf32>
    %max3A_527 = arith.constant 0.000000e+00 : f32
    %max3A_528 = vector.broadcast %max3A_527 : f32 to vector<1024x128xf32>
    %max3A_529 = arith.maximumf %dot_general3A_526, %max3A_528 : vector<1024x128xf32>
    %get3A_530 = arith.constant 1 : index
    %get3A_531 = arith.constant 0 : index
    %get3A_532 = arith.constant 0 : index
    %get3A_533 = vector.load %arg7[%get3A_530, %get3A_531, %get3A_532] : memref<3x128x128xf32, #tpu.memory_space<vmem>>, vector<1x128x128xf32>
    %get3A_534 = vector.shape_cast %get3A_533 : vector<1x128x128xf32> to vector<128x128xf32>
    %dot_general3A_535 = arith.constant dense<0.000000e+00> : vector<1024x128xf32>
    %dot_general3A_536 = tpu.matmul %max3A_529, %get3A_534, %dot_general3A_535 {dimension_numbers = #tpu.dot_dimension_numbers<[1], [0], [0], [1], [0, 0, 1, 1], [], []>, transpose_lhs_hint = false} : vector<1024x128xf32>, vector<128x128xf32>, vector<1024x128xf32> -> vector<1024x128xf32>
    %get3A_537 = arith.constant 1 : index
    %get3A_538 = arith.constant 0 : index
    %get3A_539 = vector.load %arg8[%get3A_537, %get3A_538] : memref<3x128xf32, #tpu.memory_space<vmem>>, vector<1x128xf32>
    %add3A_540 = vector.broadcast %get3A_539 : vector<1x128xf32> to vector<1024x128xf32>
    %add3A_541 = arith.addf %dot_general3A_536, %add3A_540 : vector<1024x128xf32>
    %max3A_542 = arith.constant 0.000000e+00 : f32
    %max3A_543 = vector.broadcast %max3A_542 : f32 to vector<1024x128xf32>
    %max3A_544 = arith.maximumf %add3A_541, %max3A_543 : vector<1024x128xf32>
    %mul3A_545 = vector.broadcast %dot_general3A_106 : vector<1024x1xf32> to vector<1024x128xf32>
    %mul3A_546 = arith.mulf %max3A_544, %mul3A_545 : vector<1024x128xf32>
    %reshape3A_547 = vector.shape_cast %mul3A_546 : vector<1024x128xf32> to vector<32x32x128xf32>
    %reduce_sum3A_548 = arith.constant dense<0.000000e+00> : vector<32x128xf32>
    %reduce_sum3A_549 = vector.multi_reduction <add>, %reshape3A_547, %reduce_sum3A_548 [1] : vector<32x32x128xf32> to vector<32x128xf32>
    %get3A_550 = arith.constant 1 : index
    %get3A_551 = arith.constant 0 : index
    %get3A_552 = arith.constant 0 : index
    %get3A_553 = vector.load %arg6[%get3A_550, %get3A_551, %get3A_552] : memref<3x18x128xf32, #tpu.memory_space<vmem>>, vector<1x18x128xf32>
    %get3A_554 = vector.shape_cast %get3A_553 : vector<1x18x128xf32> to vector<18x128xf32>
    %slice3A_555 = vector.extract_strided_slice %dot_general3A_476 {offsets = [64, 0], sizes = [32, 128], strides = [1, 1]} : vector<256x128xf32> to vector<32x128xf32>
    %slice3A_556 = vector.extract_strided_slice %dot_general3A_483 {offsets = [64, 0], sizes = [32, 128], strides = [1, 1]} : vector<256x128xf32> to vector<32x128xf32>
    %concatenate3A_557 = tpu.concatenate %get3A_554, %slice3A_555, %slice3A_556 in 0 : vector<18x128xf32>, vector<32x128xf32>, vector<32x128xf32> -> vector<82x128xf32>
    %dot_general3A_558 = arith.constant dense<0.000000e+00> : vector<1024x128xf32>
    %dot_general3A_559 = tpu.matmul %concatenate3A_130, %concatenate3A_557, %dot_general3A_558 {dimension_numbers = #tpu.dot_dimension_numbers<[0], [0], [1], [1], [0, 1, 1, 1], [], []>, transpose_lhs_hint = false} : vector<82x1024xf32>, vector<82x128xf32>, vector<1024x128xf32> -> vector<1024x128xf32>
    %max3A_560 = arith.constant 0.000000e+00 : f32
    %max3A_561 = vector.broadcast %max3A_560 : f32 to vector<1024x128xf32>
    %max3A_562 = arith.maximumf %dot_general3A_559, %max3A_561 : vector<1024x128xf32>
    %get3A_563 = arith.constant 1 : index
    %get3A_564 = arith.constant 0 : index
    %get3A_565 = arith.constant 0 : index
    %get3A_566 = vector.load %arg7[%get3A_563, %get3A_564, %get3A_565] : memref<3x128x128xf32, #tpu.memory_space<vmem>>, vector<1x128x128xf32>
    %get3A_567 = vector.shape_cast %get3A_566 : vector<1x128x128xf32> to vector<128x128xf32>
    %dot_general3A_568 = arith.constant dense<0.000000e+00> : vector<1024x128xf32>
    %dot_general3A_569 = tpu.matmul %max3A_562, %get3A_567, %dot_general3A_568 {dimension_numbers = #tpu.dot_dimension_numbers<[1], [0], [0], [1], [0, 0, 1, 1], [], []>, transpose_lhs_hint = false} : vector<1024x128xf32>, vector<128x128xf32>, vector<1024x128xf32> -> vector<1024x128xf32>
    %get3A_570 = arith.constant 1 : index
    %get3A_571 = arith.constant 0 : index
    %get3A_572 = vector.load %arg8[%get3A_570, %get3A_571] : memref<3x128xf32, #tpu.memory_space<vmem>>, vector<1x128xf32>
    %add3A_573 = vector.broadcast %get3A_572 : vector<1x128xf32> to vector<1024x128xf32>
    %add3A_574 = arith.addf %dot_general3A_569, %add3A_573 : vector<1024x128xf32>
    %max3A_575 = arith.constant 0.000000e+00 : f32
    %max3A_576 = vector.broadcast %max3A_575 : f32 to vector<1024x128xf32>
    %max3A_577 = arith.maximumf %add3A_574, %max3A_576 : vector<1024x128xf32>
    %mul3A_578 = vector.broadcast %dot_general3A_109 : vector<1024x1xf32> to vector<1024x128xf32>
    %mul3A_579 = arith.mulf %max3A_577, %mul3A_578 : vector<1024x128xf32>
    %reshape3A_580 = vector.shape_cast %mul3A_579 : vector<1024x128xf32> to vector<32x32x128xf32>
    %reduce_sum3A_581 = arith.constant dense<0.000000e+00> : vector<32x128xf32>
    %reduce_sum3A_582 = vector.multi_reduction <add>, %reshape3A_580, %reduce_sum3A_581 [1] : vector<32x32x128xf32> to vector<32x128xf32>
    %get3A_583 = arith.constant 1 : index
    %get3A_584 = arith.constant 0 : index
    %get3A_585 = arith.constant 0 : index
    %get3A_586 = vector.load %arg6[%get3A_583, %get3A_584, %get3A_585] : memref<3x18x128xf32, #tpu.memory_space<vmem>>, vector<1x18x128xf32>
    %get3A_587 = vector.shape_cast %get3A_586 : vector<1x18x128xf32> to vector<18x128xf32>
    %slice3A_588 = vector.extract_strided_slice %dot_general3A_476 {offsets = [96, 0], sizes = [32, 128], strides = [1, 1]} : vector<256x128xf32> to vector<32x128xf32>
    %slice3A_589 = vector.extract_strided_slice %dot_general3A_483 {offsets = [96, 0], sizes = [32, 128], strides = [1, 1]} : vector<256x128xf32> to vector<32x128xf32>
    %concatenate3A_590 = tpu.concatenate %get3A_587, %slice3A_588, %slice3A_589 in 0 : vector<18x128xf32>, vector<32x128xf32>, vector<32x128xf32> -> vector<82x128xf32>
    %dot_general3A_591 = arith.constant dense<0.000000e+00> : vector<1024x128xf32>
    %dot_general3A_592 = tpu.matmul %concatenate3A_132, %concatenate3A_590, %dot_general3A_591 {dimension_numbers = #tpu.dot_dimension_numbers<[0], [0], [1], [1], [0, 1, 1, 1], [], []>, transpose_lhs_hint = false} : vector<82x1024xf32>, vector<82x128xf32>, vector<1024x128xf32> -> vector<1024x128xf32>
    %max3A_593 = arith.constant 0.000000e+00 : f32
    %max3A_594 = vector.broadcast %max3A_593 : f32 to vector<1024x128xf32>
    %max3A_595 = arith.maximumf %dot_general3A_592, %max3A_594 : vector<1024x128xf32>
    %get3A_596 = arith.constant 1 : index
    %get3A_597 = arith.constant 0 : index
    %get3A_598 = arith.constant 0 : index
    %get3A_599 = vector.load %arg7[%get3A_596, %get3A_597, %get3A_598] : memref<3x128x128xf32, #tpu.memory_space<vmem>>, vector<1x128x128xf32>
    %get3A_600 = vector.shape_cast %get3A_599 : vector<1x128x128xf32> to vector<128x128xf32>
    %dot_general3A_601 = arith.constant dense<0.000000e+00> : vector<1024x128xf32>
    %dot_general3A_602 = tpu.matmul %max3A_595, %get3A_600, %dot_general3A_601 {dimension_numbers = #tpu.dot_dimension_numbers<[1], [0], [0], [1], [0, 0, 1, 1], [], []>, transpose_lhs_hint = false} : vector<1024x128xf32>, vector<128x128xf32>, vector<1024x128xf32> -> vector<1024x128xf32>
    %get3A_603 = arith.constant 1 : index
    %get3A_604 = arith.constant 0 : index
    %get3A_605 = vector.load %arg8[%get3A_603, %get3A_604] : memref<3x128xf32, #tpu.memory_space<vmem>>, vector<1x128xf32>
    %add3A_606 = vector.broadcast %get3A_605 : vector<1x128xf32> to vector<1024x128xf32>
    %add3A_607 = arith.addf %dot_general3A_602, %add3A_606 : vector<1024x128xf32>
    %max3A_608 = arith.constant 0.000000e+00 : f32
    %max3A_609 = vector.broadcast %max3A_608 : f32 to vector<1024x128xf32>
    %max3A_610 = arith.maximumf %add3A_607, %max3A_609 : vector<1024x128xf32>
    %mul3A_611 = vector.broadcast %dot_general3A_112 : vector<1024x1xf32> to vector<1024x128xf32>
    %mul3A_612 = arith.mulf %max3A_610, %mul3A_611 : vector<1024x128xf32>
    %reshape3A_613 = vector.shape_cast %mul3A_612 : vector<1024x128xf32> to vector<32x32x128xf32>
    %reduce_sum3A_614 = arith.constant dense<0.000000e+00> : vector<32x128xf32>
    %reduce_sum3A_615 = vector.multi_reduction <add>, %reshape3A_613, %reduce_sum3A_614 [1] : vector<32x32x128xf32> to vector<32x128xf32>
    %get3A_616 = arith.constant 1 : index
    %get3A_617 = arith.constant 0 : index
    %get3A_618 = arith.constant 0 : index
    %get3A_619 = vector.load %arg6[%get3A_616, %get3A_617, %get3A_618] : memref<3x18x128xf32, #tpu.memory_space<vmem>>, vector<1x18x128xf32>
    %get3A_620 = vector.shape_cast %get3A_619 : vector<1x18x128xf32> to vector<18x128xf32>
    %slice3A_621 = vector.extract_strided_slice %dot_general3A_476 {offsets = [128, 0], sizes = [32, 128], strides = [1, 1]} : vector<256x128xf32> to vector<32x128xf32>
    %slice3A_622 = vector.extract_strided_slice %dot_general3A_483 {offsets = [128, 0], sizes = [32, 128], strides = [1, 1]} : vector<256x128xf32> to vector<32x128xf32>
    %concatenate3A_623 = tpu.concatenate %get3A_620, %slice3A_621, %slice3A_622 in 0 : vector<18x128xf32>, vector<32x128xf32>, vector<32x128xf32> -> vector<82x128xf32>
    %dot_general3A_624 = arith.constant dense<0.000000e+00> : vector<1024x128xf32>
    %dot_general3A_625 = tpu.matmul %concatenate3A_134, %concatenate3A_623, %dot_general3A_624 {dimension_numbers = #tpu.dot_dimension_numbers<[0], [0], [1], [1], [0, 1, 1, 1], [], []>, transpose_lhs_hint = false} : vector<82x1024xf32>, vector<82x128xf32>, vector<1024x128xf32> -> vector<1024x128xf32>
    %max3A_626 = arith.constant 0.000000e+00 : f32
    %max3A_627 = vector.broadcast %max3A_626 : f32 to vector<1024x128xf32>
    %max3A_628 = arith.maximumf %dot_general3A_625, %max3A_627 : vector<1024x128xf32>
    %get3A_629 = arith.constant 1 : index
    %get3A_630 = arith.constant 0 : index
    %get3A_631 = arith.constant 0 : index
    %get3A_632 = vector.load %arg7[%get3A_629, %get3A_630, %get3A_631] : memref<3x128x128xf32, #tpu.memory_space<vmem>>, vector<1x128x128xf32>
    %get3A_633 = vector.shape_cast %get3A_632 : vector<1x128x128xf32> to vector<128x128xf32>
    %dot_general3A_634 = arith.constant dense<0.000000e+00> : vector<1024x128xf32>
    %dot_general3A_635 = tpu.matmul %max3A_628, %get3A_633, %dot_general3A_634 {dimension_numbers = #tpu.dot_dimension_numbers<[1], [0], [0], [1], [0, 0, 1, 1], [], []>, transpose_lhs_hint = false} : vector<1024x128xf32>, vector<128x128xf32>, vector<1024x128xf32> -> vector<1024x128xf32>
    %get3A_636 = arith.constant 1 : index
    %get3A_637 = arith.constant 0 : index
    %get3A_638 = vector.load %arg8[%get3A_636, %get3A_637] : memref<3x128xf32, #tpu.memory_space<vmem>>, vector<1x128xf32>
    %add3A_639 = vector.broadcast %get3A_638 : vector<1x128xf32> to vector<1024x128xf32>
    %add3A_640 = arith.addf %dot_general3A_635, %add3A_639 : vector<1024x128xf32>
    %max3A_641 = arith.constant 0.000000e+00 : f32
    %max3A_642 = vector.broadcast %max3A_641 : f32 to vector<1024x128xf32>
    %max3A_643 = arith.maximumf %add3A_640, %max3A_642 : vector<1024x128xf32>
    %mul3A_644 = vector.broadcast %dot_general3A_115 : vector<1024x1xf32> to vector<1024x128xf32>
    %mul3A_645 = arith.mulf %max3A_643, %mul3A_644 : vector<1024x128xf32>
    %reshape3A_646 = vector.shape_cast %mul3A_645 : vector<1024x128xf32> to vector<32x32x128xf32>
    %reduce_sum3A_647 = arith.constant dense<0.000000e+00> : vector<32x128xf32>
    %reduce_sum3A_648 = vector.multi_reduction <add>, %reshape3A_646, %reduce_sum3A_647 [1] : vector<32x32x128xf32> to vector<32x128xf32>
    %get3A_649 = arith.constant 1 : index
    %get3A_650 = arith.constant 0 : index
    %get3A_651 = arith.constant 0 : index
    %get3A_652 = vector.load %arg6[%get3A_649, %get3A_650, %get3A_651] : memref<3x18x128xf32, #tpu.memory_space<vmem>>, vector<1x18x128xf32>
    %get3A_653 = vector.shape_cast %get3A_652 : vector<1x18x128xf32> to vector<18x128xf32>
    %slice3A_654 = vector.extract_strided_slice %dot_general3A_476 {offsets = [160, 0], sizes = [32, 128], strides = [1, 1]} : vector<256x128xf32> to vector<32x128xf32>
    %slice3A_655 = vector.extract_strided_slice %dot_general3A_483 {offsets = [160, 0], sizes = [32, 128], strides = [1, 1]} : vector<256x128xf32> to vector<32x128xf32>
    %concatenate3A_656 = tpu.concatenate %get3A_653, %slice3A_654, %slice3A_655 in 0 : vector<18x128xf32>, vector<32x128xf32>, vector<32x128xf32> -> vector<82x128xf32>
    %dot_general3A_657 = arith.constant dense<0.000000e+00> : vector<1024x128xf32>
    %dot_general3A_658 = tpu.matmul %concatenate3A_136, %concatenate3A_656, %dot_general3A_657 {dimension_numbers = #tpu.dot_dimension_numbers<[0], [0], [1], [1], [0, 1, 1, 1], [], []>, transpose_lhs_hint = false} : vector<82x1024xf32>, vector<82x128xf32>, vector<1024x128xf32> -> vector<1024x128xf32>
    %max3A_659 = arith.constant 0.000000e+00 : f32
    %max3A_660 = vector.broadcast %max3A_659 : f32 to vector<1024x128xf32>
    %max3A_661 = arith.maximumf %dot_general3A_658, %max3A_660 : vector<1024x128xf32>
    %get3A_662 = arith.constant 1 : index
    %get3A_663 = arith.constant 0 : index
    %get3A_664 = arith.constant 0 : index
    %get3A_665 = vector.load %arg7[%get3A_662, %get3A_663, %get3A_664] : memref<3x128x128xf32, #tpu.memory_space<vmem>>, vector<1x128x128xf32>
    %get3A_666 = vector.shape_cast %get3A_665 : vector<1x128x128xf32> to vector<128x128xf32>
    %dot_general3A_667 = arith.constant dense<0.000000e+00> : vector<1024x128xf32>
    %dot_general3A_668 = tpu.matmul %max3A_661, %get3A_666, %dot_general3A_667 {dimension_numbers = #tpu.dot_dimension_numbers<[1], [0], [0], [1], [0, 0, 1, 1], [], []>, transpose_lhs_hint = false} : vector<1024x128xf32>, vector<128x128xf32>, vector<1024x128xf32> -> vector<1024x128xf32>
    %get3A_669 = arith.constant 1 : index
    %get3A_670 = arith.constant 0 : index
    %get3A_671 = vector.load %arg8[%get3A_669, %get3A_670] : memref<3x128xf32, #tpu.memory_space<vmem>>, vector<1x128xf32>
    %add3A_672 = vector.broadcast %get3A_671 : vector<1x128xf32> to vector<1024x128xf32>
    %add3A_673 = arith.addf %dot_general3A_668, %add3A_672 : vector<1024x128xf32>
    %max3A_674 = arith.constant 0.000000e+00 : f32
    %max3A_675 = vector.broadcast %max3A_674 : f32 to vector<1024x128xf32>
    %max3A_676 = arith.maximumf %add3A_673, %max3A_675 : vector<1024x128xf32>
    %mul3A_677 = vector.broadcast %dot_general3A_118 : vector<1024x1xf32> to vector<1024x128xf32>
    %mul3A_678 = arith.mulf %max3A_676, %mul3A_677 : vector<1024x128xf32>
    %reshape3A_679 = vector.shape_cast %mul3A_678 : vector<1024x128xf32> to vector<32x32x128xf32>
    %reduce_sum3A_680 = arith.constant dense<0.000000e+00> : vector<32x128xf32>
    %reduce_sum3A_681 = vector.multi_reduction <add>, %reshape3A_679, %reduce_sum3A_680 [1] : vector<32x32x128xf32> to vector<32x128xf32>
    %get3A_682 = arith.constant 1 : index
    %get3A_683 = arith.constant 0 : index
    %get3A_684 = arith.constant 0 : index
    %get3A_685 = vector.load %arg6[%get3A_682, %get3A_683, %get3A_684] : memref<3x18x128xf32, #tpu.memory_space<vmem>>, vector<1x18x128xf32>
    %get3A_686 = vector.shape_cast %get3A_685 : vector<1x18x128xf32> to vector<18x128xf32>
    %slice3A_687 = vector.extract_strided_slice %dot_general3A_476 {offsets = [192, 0], sizes = [32, 128], strides = [1, 1]} : vector<256x128xf32> to vector<32x128xf32>
    %slice3A_688 = vector.extract_strided_slice %dot_general3A_483 {offsets = [192, 0], sizes = [32, 128], strides = [1, 1]} : vector<256x128xf32> to vector<32x128xf32>
    %concatenate3A_689 = tpu.concatenate %get3A_686, %slice3A_687, %slice3A_688 in 0 : vector<18x128xf32>, vector<32x128xf32>, vector<32x128xf32> -> vector<82x128xf32>
    %dot_general3A_690 = arith.constant dense<0.000000e+00> : vector<1024x128xf32>
    %dot_general3A_691 = tpu.matmul %concatenate3A_138, %concatenate3A_689, %dot_general3A_690 {dimension_numbers = #tpu.dot_dimension_numbers<[0], [0], [1], [1], [0, 1, 1, 1], [], []>, transpose_lhs_hint = false} : vector<82x1024xf32>, vector<82x128xf32>, vector<1024x128xf32> -> vector<1024x128xf32>
    %max3A_692 = arith.constant 0.000000e+00 : f32
    %max3A_693 = vector.broadcast %max3A_692 : f32 to vector<1024x128xf32>
    %max3A_694 = arith.maximumf %dot_general3A_691, %max3A_693 : vector<1024x128xf32>
    %get3A_695 = arith.constant 1 : index
    %get3A_696 = arith.constant 0 : index
    %get3A_697 = arith.constant 0 : index
    %get3A_698 = vector.load %arg7[%get3A_695, %get3A_696, %get3A_697] : memref<3x128x128xf32, #tpu.memory_space<vmem>>, vector<1x128x128xf32>
    %get3A_699 = vector.shape_cast %get3A_698 : vector<1x128x128xf32> to vector<128x128xf32>
    %dot_general3A_700 = arith.constant dense<0.000000e+00> : vector<1024x128xf32>
    %dot_general3A_701 = tpu.matmul %max3A_694, %get3A_699, %dot_general3A_700 {dimension_numbers = #tpu.dot_dimension_numbers<[1], [0], [0], [1], [0, 0, 1, 1], [], []>, transpose_lhs_hint = false} : vector<1024x128xf32>, vector<128x128xf32>, vector<1024x128xf32> -> vector<1024x128xf32>
    %get3A_702 = arith.constant 1 : index
    %get3A_703 = arith.constant 0 : index
    %get3A_704 = vector.load %arg8[%get3A_702, %get3A_703] : memref<3x128xf32, #tpu.memory_space<vmem>>, vector<1x128xf32>
    %add3A_705 = vector.broadcast %get3A_704 : vector<1x128xf32> to vector<1024x128xf32>
    %add3A_706 = arith.addf %dot_general3A_701, %add3A_705 : vector<1024x128xf32>
    %max3A_707 = arith.constant 0.000000e+00 : f32
    %max3A_708 = vector.broadcast %max3A_707 : f32 to vector<1024x128xf32>
    %max3A_709 = arith.maximumf %add3A_706, %max3A_708 : vector<1024x128xf32>
    %mul3A_710 = vector.broadcast %dot_general3A_121 : vector<1024x1xf32> to vector<1024x128xf32>
    %mul3A_711 = arith.mulf %max3A_709, %mul3A_710 : vector<1024x128xf32>
    %reshape3A_712 = vector.shape_cast %mul3A_711 : vector<1024x128xf32> to vector<32x32x128xf32>
    %reduce_sum3A_713 = arith.constant dense<0.000000e+00> : vector<32x128xf32>
    %reduce_sum3A_714 = vector.multi_reduction <add>, %reshape3A_712, %reduce_sum3A_713 [1] : vector<32x32x128xf32> to vector<32x128xf32>
    %get3A_715 = arith.constant 1 : index
    %get3A_716 = arith.constant 0 : index
    %get3A_717 = arith.constant 0 : index
    %get3A_718 = vector.load %arg6[%get3A_715, %get3A_716, %get3A_717] : memref<3x18x128xf32, #tpu.memory_space<vmem>>, vector<1x18x128xf32>
    %get3A_719 = vector.shape_cast %get3A_718 : vector<1x18x128xf32> to vector<18x128xf32>
    %slice3A_720 = vector.extract_strided_slice %dot_general3A_476 {offsets = [224, 0], sizes = [32, 128], strides = [1, 1]} : vector<256x128xf32> to vector<32x128xf32>
    %slice3A_721 = vector.extract_strided_slice %dot_general3A_483 {offsets = [224, 0], sizes = [32, 128], strides = [1, 1]} : vector<256x128xf32> to vector<32x128xf32>
    %concatenate3A_722 = tpu.concatenate %get3A_719, %slice3A_720, %slice3A_721 in 0 : vector<18x128xf32>, vector<32x128xf32>, vector<32x128xf32> -> vector<82x128xf32>
    %dot_general3A_723 = arith.constant dense<0.000000e+00> : vector<1024x128xf32>
    %dot_general3A_724 = tpu.matmul %concatenate3A_140, %concatenate3A_722, %dot_general3A_723 {dimension_numbers = #tpu.dot_dimension_numbers<[0], [0], [1], [1], [0, 1, 1, 1], [], []>, transpose_lhs_hint = false} : vector<82x1024xf32>, vector<82x128xf32>, vector<1024x128xf32> -> vector<1024x128xf32>
    %max3A_725 = arith.constant 0.000000e+00 : f32
    %max3A_726 = vector.broadcast %max3A_725 : f32 to vector<1024x128xf32>
    %max3A_727 = arith.maximumf %dot_general3A_724, %max3A_726 : vector<1024x128xf32>
    %get3A_728 = arith.constant 1 : index
    %get3A_729 = arith.constant 0 : index
    %get3A_730 = arith.constant 0 : index
    %get3A_731 = vector.load %arg7[%get3A_728, %get3A_729, %get3A_730] : memref<3x128x128xf32, #tpu.memory_space<vmem>>, vector<1x128x128xf32>
    %get3A_732 = vector.shape_cast %get3A_731 : vector<1x128x128xf32> to vector<128x128xf32>
    %dot_general3A_733 = arith.constant dense<0.000000e+00> : vector<1024x128xf32>
    %dot_general3A_734 = tpu.matmul %max3A_727, %get3A_732, %dot_general3A_733 {dimension_numbers = #tpu.dot_dimension_numbers<[1], [0], [0], [1], [0, 0, 1, 1], [], []>, transpose_lhs_hint = false} : vector<1024x128xf32>, vector<128x128xf32>, vector<1024x128xf32> -> vector<1024x128xf32>
    %get3A_735 = arith.constant 1 : index
    %get3A_736 = arith.constant 0 : index
    %get3A_737 = vector.load %arg8[%get3A_735, %get3A_736] : memref<3x128xf32, #tpu.memory_space<vmem>>, vector<1x128xf32>
    %add3A_738 = vector.broadcast %get3A_737 : vector<1x128xf32> to vector<1024x128xf32>
    %add3A_739 = arith.addf %dot_general3A_734, %add3A_738 : vector<1024x128xf32>
    %max3A_740 = arith.constant 0.000000e+00 : f32
    %max3A_741 = vector.broadcast %max3A_740 : f32 to vector<1024x128xf32>
    %max3A_742 = arith.maximumf %add3A_739, %max3A_741 : vector<1024x128xf32>
    %mul3A_743 = vector.broadcast %dot_general3A_124 : vector<1024x1xf32> to vector<1024x128xf32>
    %mul3A_744 = arith.mulf %max3A_742, %mul3A_743 : vector<1024x128xf32>
    %reshape3A_745 = vector.shape_cast %mul3A_744 : vector<1024x128xf32> to vector<32x32x128xf32>
    %reduce_sum3A_746 = arith.constant dense<0.000000e+00> : vector<32x128xf32>
    %reduce_sum3A_747 = vector.multi_reduction <add>, %reshape3A_745, %reduce_sum3A_746 [1] : vector<32x32x128xf32> to vector<32x128xf32>
    %concatenate3A_748 = tpu.concatenate %reduce_sum3A_516, %reduce_sum3A_549, %reduce_sum3A_582, %reduce_sum3A_615, %reduce_sum3A_648, %reduce_sum3A_681, %reduce_sum3A_714, %reduce_sum3A_747 in 0 : vector<32x128xf32>, vector<32x128xf32>, vector<32x128xf32>, vector<32x128xf32>, vector<32x128xf32>, vector<32x128xf32>, vector<32x128xf32>, vector<32x128xf32> -> vector<256x128xf32>
    %get3A_749 = arith.constant 1 : index
    %get3A_750 = arith.constant 0 : index
    %get3A_751 = arith.constant 0 : index
    %get3A_752 = vector.load %arg9[%get3A_749, %get3A_750, %get3A_751] : memref<3x128x128xf32, #tpu.memory_space<vmem>>, vector<1x128x128xf32>
    %get3A_753 = vector.shape_cast %get3A_752 : vector<1x128x128xf32> to vector<128x128xf32>
    %dot_general3A_754 = arith.constant dense<0.000000e+00> : vector<256x128xf32>
    %dot_general3A_755 = tpu.matmul %add3A_469, %get3A_753, %dot_general3A_754 {dimension_numbers = #tpu.dot_dimension_numbers<[1], [0], [0], [1], [0, 0, 1, 1], [], []>, transpose_lhs_hint = false} : vector<256x128xf32>, vector<128x128xf32>, vector<256x128xf32> -> vector<256x128xf32>
    %get3A_756 = arith.constant 1 : index
    %get3A_757 = arith.constant 0 : index
    %get3A_758 = arith.constant 0 : index
    %get3A_759 = vector.load %arg10[%get3A_756, %get3A_757, %get3A_758] : memref<3x128x128xf32, #tpu.memory_space<vmem>>, vector<1x128x128xf32>
    %get3A_760 = vector.shape_cast %get3A_759 : vector<1x128x128xf32> to vector<128x128xf32>
    %dot_general3A_761 = arith.constant dense<0.000000e+00> : vector<256x128xf32>
    %dot_general3A_762 = tpu.matmul %concatenate3A_748, %get3A_760, %dot_general3A_761 {dimension_numbers = #tpu.dot_dimension_numbers<[1], [0], [0], [1], [0, 0, 1, 1], [], []>, transpose_lhs_hint = false} : vector<256x128xf32>, vector<128x128xf32>, vector<256x128xf32> -> vector<256x128xf32>
    %add3A_763 = arith.addf %dot_general3A_755, %dot_general3A_762 : vector<256x128xf32>
    %get3A_764 = arith.constant 1 : index
    %get3A_765 = arith.constant 0 : index
    %get3A_766 = vector.load %arg11[%get3A_764, %get3A_765] : memref<3x128xf32, #tpu.memory_space<vmem>>, vector<1x128xf32>
    %add3A_767 = vector.broadcast %get3A_766 : vector<1x128xf32> to vector<256x128xf32>
    %add3A_768 = arith.addf %add3A_763, %add3A_767 : vector<256x128xf32>
    %max3A_769 = arith.constant 0.000000e+00 : f32
    %max3A_770 = vector.broadcast %max3A_769 : f32 to vector<256x128xf32>
    %max3A_771 = arith.maximumf %add3A_768, %max3A_770 : vector<256x128xf32>
    %get3A_772 = arith.constant 1 : index
    %get3A_773 = arith.constant 0 : index
    %get3A_774 = arith.constant 0 : index
    %get3A_775 = vector.load %arg12[%get3A_772, %get3A_773, %get3A_774] : memref<3x128x128xf32, #tpu.memory_space<vmem>>, vector<1x128x128xf32>
    %get3A_776 = vector.shape_cast %get3A_775 : vector<1x128x128xf32> to vector<128x128xf32>
    %dot_general3A_777 = arith.constant dense<0.000000e+00> : vector<256x128xf32>
    %dot_general3A_778 = tpu.matmul %max3A_771, %get3A_776, %dot_general3A_777 {dimension_numbers = #tpu.dot_dimension_numbers<[1], [0], [0], [1], [0, 0, 1, 1], [], []>, transpose_lhs_hint = false} : vector<256x128xf32>, vector<128x128xf32>, vector<256x128xf32> -> vector<256x128xf32>
    %get3A_779 = arith.constant 1 : index
    %get3A_780 = arith.constant 0 : index
    %get3A_781 = vector.load %arg13[%get3A_779, %get3A_780] : memref<3x128xf32, #tpu.memory_space<vmem>>, vector<1x128xf32>
    %add3A_782 = vector.broadcast %get3A_781 : vector<1x128xf32> to vector<256x128xf32>
    %add3A_783 = arith.addf %dot_general3A_778, %add3A_782 : vector<256x128xf32>
    %mul3A_784 = arith.constant 2.000000e+00 : f32
    %mul3A_785 = vector.broadcast %mul3A_784 : f32 to vector<256x128xf32>
    %mul3A_786 = arith.mulf %mul3A_785, %add3A_469 : vector<256x128xf32>
    %add3A_787 = arith.addf %mul3A_786, %add3A_783 : vector<256x128xf32>
    %get3A_788 = arith.constant 2 : index
    %get3A_789 = arith.constant 0 : index
    %get3A_790 = arith.constant 0 : index
    %get3A_791 = vector.load %arg4[%get3A_788, %get3A_789, %get3A_790] : memref<3x128x128xf32, #tpu.memory_space<vmem>>, vector<1x128x128xf32>
    %get3A_792 = vector.shape_cast %get3A_791 : vector<1x128x128xf32> to vector<128x128xf32>
    %dot_general3A_793 = arith.constant dense<0.000000e+00> : vector<256x128xf32>
    %dot_general3A_794 = tpu.matmul %add3A_787, %get3A_792, %dot_general3A_793 {dimension_numbers = #tpu.dot_dimension_numbers<[1], [0], [0], [1], [0, 0, 1, 1], [], []>, transpose_lhs_hint = false} : vector<256x128xf32>, vector<128x128xf32>, vector<256x128xf32> -> vector<256x128xf32>
    %get3A_795 = arith.constant 2 : index
    %get3A_796 = arith.constant 0 : index
    %get3A_797 = arith.constant 0 : index
    %get3A_798 = vector.load %arg5[%get3A_795, %get3A_796, %get3A_797] : memref<3x128x128xf32, #tpu.memory_space<vmem>>, vector<1x128x128xf32>
    %get3A_799 = vector.shape_cast %get3A_798 : vector<1x128x128xf32> to vector<128x128xf32>
    %dot_general3A_800 = arith.constant dense<0.000000e+00> : vector<256x128xf32>
    %dot_general3A_801 = tpu.matmul %add3A_787, %get3A_799, %dot_general3A_800 {dimension_numbers = #tpu.dot_dimension_numbers<[1], [0], [0], [1], [0, 0, 1, 1], [], []>, transpose_lhs_hint = false} : vector<256x128xf32>, vector<128x128xf32>, vector<256x128xf32> -> vector<256x128xf32>
    %get3A_802 = arith.constant 2 : index
    %get3A_803 = arith.constant 0 : index
    %get3A_804 = arith.constant 0 : index
    %get3A_805 = vector.load %arg6[%get3A_802, %get3A_803, %get3A_804] : memref<3x18x128xf32, #tpu.memory_space<vmem>>, vector<1x18x128xf32>
    %get3A_806 = vector.shape_cast %get3A_805 : vector<1x18x128xf32> to vector<18x128xf32>
    %slice3A_807 = vector.extract_strided_slice %dot_general3A_794 {offsets = [0, 0], sizes = [32, 128], strides = [1, 1]} : vector<256x128xf32> to vector<32x128xf32>
    %slice3A_808 = vector.extract_strided_slice %dot_general3A_801 {offsets = [0, 0], sizes = [32, 128], strides = [1, 1]} : vector<256x128xf32> to vector<32x128xf32>
    %concatenate3A_809 = tpu.concatenate %get3A_806, %slice3A_807, %slice3A_808 in 0 : vector<18x128xf32>, vector<32x128xf32>, vector<32x128xf32> -> vector<82x128xf32>
    %dot_general3A_810 = arith.constant dense<0.000000e+00> : vector<1024x128xf32>
    %dot_general3A_811 = tpu.matmul %concatenate3A_126, %concatenate3A_809, %dot_general3A_810 {dimension_numbers = #tpu.dot_dimension_numbers<[0], [0], [1], [1], [0, 1, 1, 1], [], []>, transpose_lhs_hint = false} : vector<82x1024xf32>, vector<82x128xf32>, vector<1024x128xf32> -> vector<1024x128xf32>
    %max3A_812 = arith.constant 0.000000e+00 : f32
    %max3A_813 = vector.broadcast %max3A_812 : f32 to vector<1024x128xf32>
    %max3A_814 = arith.maximumf %dot_general3A_811, %max3A_813 : vector<1024x128xf32>
    %get3A_815 = arith.constant 2 : index
    %get3A_816 = arith.constant 0 : index
    %get3A_817 = arith.constant 0 : index
    %get3A_818 = vector.load %arg7[%get3A_815, %get3A_816, %get3A_817] : memref<3x128x128xf32, #tpu.memory_space<vmem>>, vector<1x128x128xf32>
    %get3A_819 = vector.shape_cast %get3A_818 : vector<1x128x128xf32> to vector<128x128xf32>
    %dot_general3A_820 = arith.constant dense<0.000000e+00> : vector<1024x128xf32>
    %dot_general3A_821 = tpu.matmul %max3A_814, %get3A_819, %dot_general3A_820 {dimension_numbers = #tpu.dot_dimension_numbers<[1], [0], [0], [1], [0, 0, 1, 1], [], []>, transpose_lhs_hint = false} : vector<1024x128xf32>, vector<128x128xf32>, vector<1024x128xf32> -> vector<1024x128xf32>
    %get3A_822 = arith.constant 2 : index
    %get3A_823 = arith.constant 0 : index
    %get3A_824 = vector.load %arg8[%get3A_822, %get3A_823] : memref<3x128xf32, #tpu.memory_space<vmem>>, vector<1x128xf32>
    %add3A_825 = vector.broadcast %get3A_824 : vector<1x128xf32> to vector<1024x128xf32>
    %add3A_826 = arith.addf %dot_general3A_821, %add3A_825 : vector<1024x128xf32>
    %max3A_827 = arith.constant 0.000000e+00 : f32
    %max3A_828 = vector.broadcast %max3A_827 : f32 to vector<1024x128xf32>
    %max3A_829 = arith.maximumf %add3A_826, %max3A_828 : vector<1024x128xf32>
    %mul3A_830 = vector.broadcast %dot_general3A_103 : vector<1024x1xf32> to vector<1024x128xf32>
    %mul3A_831 = arith.mulf %max3A_829, %mul3A_830 : vector<1024x128xf32>
    %reshape3A_832 = vector.shape_cast %mul3A_831 : vector<1024x128xf32> to vector<32x32x128xf32>
    %reduce_sum3A_833 = arith.constant dense<0.000000e+00> : vector<32x128xf32>
    %reduce_sum3A_834 = vector.multi_reduction <add>, %reshape3A_832, %reduce_sum3A_833 [1] : vector<32x32x128xf32> to vector<32x128xf32>
    %get3A_835 = arith.constant 2 : index
    %get3A_836 = arith.constant 0 : index
    %get3A_837 = arith.constant 0 : index
    %get3A_838 = vector.load %arg6[%get3A_835, %get3A_836, %get3A_837] : memref<3x18x128xf32, #tpu.memory_space<vmem>>, vector<1x18x128xf32>
    %get3A_839 = vector.shape_cast %get3A_838 : vector<1x18x128xf32> to vector<18x128xf32>
    %slice3A_840 = vector.extract_strided_slice %dot_general3A_794 {offsets = [32, 0], sizes = [32, 128], strides = [1, 1]} : vector<256x128xf32> to vector<32x128xf32>
    %slice3A_841 = vector.extract_strided_slice %dot_general3A_801 {offsets = [32, 0], sizes = [32, 128], strides = [1, 1]} : vector<256x128xf32> to vector<32x128xf32>
    %concatenate3A_842 = tpu.concatenate %get3A_839, %slice3A_840, %slice3A_841 in 0 : vector<18x128xf32>, vector<32x128xf32>, vector<32x128xf32> -> vector<82x128xf32>
    %dot_general3A_843 = arith.constant dense<0.000000e+00> : vector<1024x128xf32>
    %dot_general3A_844 = tpu.matmul %concatenate3A_128, %concatenate3A_842, %dot_general3A_843 {dimension_numbers = #tpu.dot_dimension_numbers<[0], [0], [1], [1], [0, 1, 1, 1], [], []>, transpose_lhs_hint = false} : vector<82x1024xf32>, vector<82x128xf32>, vector<1024x128xf32> -> vector<1024x128xf32>
    %max3A_845 = arith.constant 0.000000e+00 : f32
    %max3A_846 = vector.broadcast %max3A_845 : f32 to vector<1024x128xf32>
    %max3A_847 = arith.maximumf %dot_general3A_844, %max3A_846 : vector<1024x128xf32>
    %get3A_848 = arith.constant 2 : index
    %get3A_849 = arith.constant 0 : index
    %get3A_850 = arith.constant 0 : index
    %get3A_851 = vector.load %arg7[%get3A_848, %get3A_849, %get3A_850] : memref<3x128x128xf32, #tpu.memory_space<vmem>>, vector<1x128x128xf32>
    %get3A_852 = vector.shape_cast %get3A_851 : vector<1x128x128xf32> to vector<128x128xf32>
    %dot_general3A_853 = arith.constant dense<0.000000e+00> : vector<1024x128xf32>
    %dot_general3A_854 = tpu.matmul %max3A_847, %get3A_852, %dot_general3A_853 {dimension_numbers = #tpu.dot_dimension_numbers<[1], [0], [0], [1], [0, 0, 1, 1], [], []>, transpose_lhs_hint = false} : vector<1024x128xf32>, vector<128x128xf32>, vector<1024x128xf32> -> vector<1024x128xf32>
    %get3A_855 = arith.constant 2 : index
    %get3A_856 = arith.constant 0 : index
    %get3A_857 = vector.load %arg8[%get3A_855, %get3A_856] : memref<3x128xf32, #tpu.memory_space<vmem>>, vector<1x128xf32>
    %add3A_858 = vector.broadcast %get3A_857 : vector<1x128xf32> to vector<1024x128xf32>
    %add3A_859 = arith.addf %dot_general3A_854, %add3A_858 : vector<1024x128xf32>
    %max3A_860 = arith.constant 0.000000e+00 : f32
    %max3A_861 = vector.broadcast %max3A_860 : f32 to vector<1024x128xf32>
    %max3A_862 = arith.maximumf %add3A_859, %max3A_861 : vector<1024x128xf32>
    %mul3A_863 = vector.broadcast %dot_general3A_106 : vector<1024x1xf32> to vector<1024x128xf32>
    %mul3A_864 = arith.mulf %max3A_862, %mul3A_863 : vector<1024x128xf32>
    %reshape3A_865 = vector.shape_cast %mul3A_864 : vector<1024x128xf32> to vector<32x32x128xf32>
    %reduce_sum3A_866 = arith.constant dense<0.000000e+00> : vector<32x128xf32>
    %reduce_sum3A_867 = vector.multi_reduction <add>, %reshape3A_865, %reduce_sum3A_866 [1] : vector<32x32x128xf32> to vector<32x128xf32>
    %get3A_868 = arith.constant 2 : index
    %get3A_869 = arith.constant 0 : index
    %get3A_870 = arith.constant 0 : index
    %get3A_871 = vector.load %arg6[%get3A_868, %get3A_869, %get3A_870] : memref<3x18x128xf32, #tpu.memory_space<vmem>>, vector<1x18x128xf32>
    %get3A_872 = vector.shape_cast %get3A_871 : vector<1x18x128xf32> to vector<18x128xf32>
    %slice3A_873 = vector.extract_strided_slice %dot_general3A_794 {offsets = [64, 0], sizes = [32, 128], strides = [1, 1]} : vector<256x128xf32> to vector<32x128xf32>
    %slice3A_874 = vector.extract_strided_slice %dot_general3A_801 {offsets = [64, 0], sizes = [32, 128], strides = [1, 1]} : vector<256x128xf32> to vector<32x128xf32>
    %concatenate3A_875 = tpu.concatenate %get3A_872, %slice3A_873, %slice3A_874 in 0 : vector<18x128xf32>, vector<32x128xf32>, vector<32x128xf32> -> vector<82x128xf32>
    %dot_general3A_876 = arith.constant dense<0.000000e+00> : vector<1024x128xf32>
    %dot_general3A_877 = tpu.matmul %concatenate3A_130, %concatenate3A_875, %dot_general3A_876 {dimension_numbers = #tpu.dot_dimension_numbers<[0], [0], [1], [1], [0, 1, 1, 1], [], []>, transpose_lhs_hint = false} : vector<82x1024xf32>, vector<82x128xf32>, vector<1024x128xf32> -> vector<1024x128xf32>
    %max3A_878 = arith.constant 0.000000e+00 : f32
    %max3A_879 = vector.broadcast %max3A_878 : f32 to vector<1024x128xf32>
    %max3A_880 = arith.maximumf %dot_general3A_877, %max3A_879 : vector<1024x128xf32>
    %get3A_881 = arith.constant 2 : index
    %get3A_882 = arith.constant 0 : index
    %get3A_883 = arith.constant 0 : index
    %get3A_884 = vector.load %arg7[%get3A_881, %get3A_882, %get3A_883] : memref<3x128x128xf32, #tpu.memory_space<vmem>>, vector<1x128x128xf32>
    %get3A_885 = vector.shape_cast %get3A_884 : vector<1x128x128xf32> to vector<128x128xf32>
    %dot_general3A_886 = arith.constant dense<0.000000e+00> : vector<1024x128xf32>
    %dot_general3A_887 = tpu.matmul %max3A_880, %get3A_885, %dot_general3A_886 {dimension_numbers = #tpu.dot_dimension_numbers<[1], [0], [0], [1], [0, 0, 1, 1], [], []>, transpose_lhs_hint = false} : vector<1024x128xf32>, vector<128x128xf32>, vector<1024x128xf32> -> vector<1024x128xf32>
    %get3A_888 = arith.constant 2 : index
    %get3A_889 = arith.constant 0 : index
    %get3A_890 = vector.load %arg8[%get3A_888, %get3A_889] : memref<3x128xf32, #tpu.memory_space<vmem>>, vector<1x128xf32>
    %add3A_891 = vector.broadcast %get3A_890 : vector<1x128xf32> to vector<1024x128xf32>
    %add3A_892 = arith.addf %dot_general3A_887, %add3A_891 : vector<1024x128xf32>
    %max3A_893 = arith.constant 0.000000e+00 : f32
    %max3A_894 = vector.broadcast %max3A_893 : f32 to vector<1024x128xf32>
    %max3A_895 = arith.maximumf %add3A_892, %max3A_894 : vector<1024x128xf32>
    %mul3A_896 = vector.broadcast %dot_general3A_109 : vector<1024x1xf32> to vector<1024x128xf32>
    %mul3A_897 = arith.mulf %max3A_895, %mul3A_896 : vector<1024x128xf32>
    %reshape3A_898 = vector.shape_cast %mul3A_897 : vector<1024x128xf32> to vector<32x32x128xf32>
    %reduce_sum3A_899 = arith.constant dense<0.000000e+00> : vector<32x128xf32>
    %reduce_sum3A_900 = vector.multi_reduction <add>, %reshape3A_898, %reduce_sum3A_899 [1] : vector<32x32x128xf32> to vector<32x128xf32>
    %get3A_901 = arith.constant 2 : index
    %get3A_902 = arith.constant 0 : index
    %get3A_903 = arith.constant 0 : index
    %get3A_904 = vector.load %arg6[%get3A_901, %get3A_902, %get3A_903] : memref<3x18x128xf32, #tpu.memory_space<vmem>>, vector<1x18x128xf32>
    %get3A_905 = vector.shape_cast %get3A_904 : vector<1x18x128xf32> to vector<18x128xf32>
    %slice3A_906 = vector.extract_strided_slice %dot_general3A_794 {offsets = [96, 0], sizes = [32, 128], strides = [1, 1]} : vector<256x128xf32> to vector<32x128xf32>
    %slice3A_907 = vector.extract_strided_slice %dot_general3A_801 {offsets = [96, 0], sizes = [32, 128], strides = [1, 1]} : vector<256x128xf32> to vector<32x128xf32>
    %concatenate3A_908 = tpu.concatenate %get3A_905, %slice3A_906, %slice3A_907 in 0 : vector<18x128xf32>, vector<32x128xf32>, vector<32x128xf32> -> vector<82x128xf32>
    %dot_general3A_909 = arith.constant dense<0.000000e+00> : vector<1024x128xf32>
    %dot_general3A_910 = tpu.matmul %concatenate3A_132, %concatenate3A_908, %dot_general3A_909 {dimension_numbers = #tpu.dot_dimension_numbers<[0], [0], [1], [1], [0, 1, 1, 1], [], []>, transpose_lhs_hint = false} : vector<82x1024xf32>, vector<82x128xf32>, vector<1024x128xf32> -> vector<1024x128xf32>
    %max3A_911 = arith.constant 0.000000e+00 : f32
    %max3A_912 = vector.broadcast %max3A_911 : f32 to vector<1024x128xf32>
    %max3A_913 = arith.maximumf %dot_general3A_910, %max3A_912 : vector<1024x128xf32>
    %get3A_914 = arith.constant 2 : index
    %get3A_915 = arith.constant 0 : index
    %get3A_916 = arith.constant 0 : index
    %get3A_917 = vector.load %arg7[%get3A_914, %get3A_915, %get3A_916] : memref<3x128x128xf32, #tpu.memory_space<vmem>>, vector<1x128x128xf32>
    %get3A_918 = vector.shape_cast %get3A_917 : vector<1x128x128xf32> to vector<128x128xf32>
    %dot_general3A_919 = arith.constant dense<0.000000e+00> : vector<1024x128xf32>
    %dot_general3A_920 = tpu.matmul %max3A_913, %get3A_918, %dot_general3A_919 {dimension_numbers = #tpu.dot_dimension_numbers<[1], [0], [0], [1], [0, 0, 1, 1], [], []>, transpose_lhs_hint = false} : vector<1024x128xf32>, vector<128x128xf32>, vector<1024x128xf32> -> vector<1024x128xf32>
    %get3A_921 = arith.constant 2 : index
    %get3A_922 = arith.constant 0 : index
    %get3A_923 = vector.load %arg8[%get3A_921, %get3A_922] : memref<3x128xf32, #tpu.memory_space<vmem>>, vector<1x128xf32>
    %add3A_924 = vector.broadcast %get3A_923 : vector<1x128xf32> to vector<1024x128xf32>
    %add3A_925 = arith.addf %dot_general3A_920, %add3A_924 : vector<1024x128xf32>
    %max3A_926 = arith.constant 0.000000e+00 : f32
    %max3A_927 = vector.broadcast %max3A_926 : f32 to vector<1024x128xf32>
    %max3A_928 = arith.maximumf %add3A_925, %max3A_927 : vector<1024x128xf32>
    %mul3A_929 = vector.broadcast %dot_general3A_112 : vector<1024x1xf32> to vector<1024x128xf32>
    %mul3A_930 = arith.mulf %max3A_928, %mul3A_929 : vector<1024x128xf32>
    %reshape3A_931 = vector.shape_cast %mul3A_930 : vector<1024x128xf32> to vector<32x32x128xf32>
    %reduce_sum3A_932 = arith.constant dense<0.000000e+00> : vector<32x128xf32>
    %reduce_sum3A_933 = vector.multi_reduction <add>, %reshape3A_931, %reduce_sum3A_932 [1] : vector<32x32x128xf32> to vector<32x128xf32>
    %get3A_934 = arith.constant 2 : index
    %get3A_935 = arith.constant 0 : index
    %get3A_936 = arith.constant 0 : index
    %get3A_937 = vector.load %arg6[%get3A_934, %get3A_935, %get3A_936] : memref<3x18x128xf32, #tpu.memory_space<vmem>>, vector<1x18x128xf32>
    %get3A_938 = vector.shape_cast %get3A_937 : vector<1x18x128xf32> to vector<18x128xf32>
    %slice3A_939 = vector.extract_strided_slice %dot_general3A_794 {offsets = [128, 0], sizes = [32, 128], strides = [1, 1]} : vector<256x128xf32> to vector<32x128xf32>
    %slice3A_940 = vector.extract_strided_slice %dot_general3A_801 {offsets = [128, 0], sizes = [32, 128], strides = [1, 1]} : vector<256x128xf32> to vector<32x128xf32>
    %concatenate3A_941 = tpu.concatenate %get3A_938, %slice3A_939, %slice3A_940 in 0 : vector<18x128xf32>, vector<32x128xf32>, vector<32x128xf32> -> vector<82x128xf32>
    %dot_general3A_942 = arith.constant dense<0.000000e+00> : vector<1024x128xf32>
    %dot_general3A_943 = tpu.matmul %concatenate3A_134, %concatenate3A_941, %dot_general3A_942 {dimension_numbers = #tpu.dot_dimension_numbers<[0], [0], [1], [1], [0, 1, 1, 1], [], []>, transpose_lhs_hint = false} : vector<82x1024xf32>, vector<82x128xf32>, vector<1024x128xf32> -> vector<1024x128xf32>
    %max3A_944 = arith.constant 0.000000e+00 : f32
    %max3A_945 = vector.broadcast %max3A_944 : f32 to vector<1024x128xf32>
    %max3A_946 = arith.maximumf %dot_general3A_943, %max3A_945 : vector<1024x128xf32>
    %get3A_947 = arith.constant 2 : index
    %get3A_948 = arith.constant 0 : index
    %get3A_949 = arith.constant 0 : index
    %get3A_950 = vector.load %arg7[%get3A_947, %get3A_948, %get3A_949] : memref<3x128x128xf32, #tpu.memory_space<vmem>>, vector<1x128x128xf32>
    %get3A_951 = vector.shape_cast %get3A_950 : vector<1x128x128xf32> to vector<128x128xf32>
    %dot_general3A_952 = arith.constant dense<0.000000e+00> : vector<1024x128xf32>
    %dot_general3A_953 = tpu.matmul %max3A_946, %get3A_951, %dot_general3A_952 {dimension_numbers = #tpu.dot_dimension_numbers<[1], [0], [0], [1], [0, 0, 1, 1], [], []>, transpose_lhs_hint = false} : vector<1024x128xf32>, vector<128x128xf32>, vector<1024x128xf32> -> vector<1024x128xf32>
    %get3A_954 = arith.constant 2 : index
    %get3A_955 = arith.constant 0 : index
    %get3A_956 = vector.load %arg8[%get3A_954, %get3A_955] : memref<3x128xf32, #tpu.memory_space<vmem>>, vector<1x128xf32>
    %add3A_957 = vector.broadcast %get3A_956 : vector<1x128xf32> to vector<1024x128xf32>
    %add3A_958 = arith.addf %dot_general3A_953, %add3A_957 : vector<1024x128xf32>
    %max3A_959 = arith.constant 0.000000e+00 : f32
    %max3A_960 = vector.broadcast %max3A_959 : f32 to vector<1024x128xf32>
    %max3A_961 = arith.maximumf %add3A_958, %max3A_960 : vector<1024x128xf32>
    %mul3A_962 = vector.broadcast %dot_general3A_115 : vector<1024x1xf32> to vector<1024x128xf32>
    %mul3A_963 = arith.mulf %max3A_961, %mul3A_962 : vector<1024x128xf32>
    %reshape3A_964 = vector.shape_cast %mul3A_963 : vector<1024x128xf32> to vector<32x32x128xf32>
    %reduce_sum3A_965 = arith.constant dense<0.000000e+00> : vector<32x128xf32>
    %reduce_sum3A_966 = vector.multi_reduction <add>, %reshape3A_964, %reduce_sum3A_965 [1] : vector<32x32x128xf32> to vector<32x128xf32>
    %get3A_967 = arith.constant 2 : index
    %get3A_968 = arith.constant 0 : index
    %get3A_969 = arith.constant 0 : index
    %get3A_970 = vector.load %arg6[%get3A_967, %get3A_968, %get3A_969] : memref<3x18x128xf32, #tpu.memory_space<vmem>>, vector<1x18x128xf32>
    %get3A_971 = vector.shape_cast %get3A_970 : vector<1x18x128xf32> to vector<18x128xf32>
    %slice3A_972 = vector.extract_strided_slice %dot_general3A_794 {offsets = [160, 0], sizes = [32, 128], strides = [1, 1]} : vector<256x128xf32> to vector<32x128xf32>
    %slice3A_973 = vector.extract_strided_slice %dot_general3A_801 {offsets = [160, 0], sizes = [32, 128], strides = [1, 1]} : vector<256x128xf32> to vector<32x128xf32>
    %concatenate3A_974 = tpu.concatenate %get3A_971, %slice3A_972, %slice3A_973 in 0 : vector<18x128xf32>, vector<32x128xf32>, vector<32x128xf32> -> vector<82x128xf32>
    %dot_general3A_975 = arith.constant dense<0.000000e+00> : vector<1024x128xf32>
    %dot_general3A_976 = tpu.matmul %concatenate3A_136, %concatenate3A_974, %dot_general3A_975 {dimension_numbers = #tpu.dot_dimension_numbers<[0], [0], [1], [1], [0, 1, 1, 1], [], []>, transpose_lhs_hint = false} : vector<82x1024xf32>, vector<82x128xf32>, vector<1024x128xf32> -> vector<1024x128xf32>
    %max3A_977 = arith.constant 0.000000e+00 : f32
    %max3A_978 = vector.broadcast %max3A_977 : f32 to vector<1024x128xf32>
    %max3A_979 = arith.maximumf %dot_general3A_976, %max3A_978 : vector<1024x128xf32>
    %get3A_980 = arith.constant 2 : index
    %get3A_981 = arith.constant 0 : index
    %get3A_982 = arith.constant 0 : index
    %get3A_983 = vector.load %arg7[%get3A_980, %get3A_981, %get3A_982] : memref<3x128x128xf32, #tpu.memory_space<vmem>>, vector<1x128x128xf32>
    %get3A_984 = vector.shape_cast %get3A_983 : vector<1x128x128xf32> to vector<128x128xf32>
    %dot_general3A_985 = arith.constant dense<0.000000e+00> : vector<1024x128xf32>
    %dot_general3A_986 = tpu.matmul %max3A_979, %get3A_984, %dot_general3A_985 {dimension_numbers = #tpu.dot_dimension_numbers<[1], [0], [0], [1], [0, 0, 1, 1], [], []>, transpose_lhs_hint = false} : vector<1024x128xf32>, vector<128x128xf32>, vector<1024x128xf32> -> vector<1024x128xf32>
    %get3A_987 = arith.constant 2 : index
    %get3A_988 = arith.constant 0 : index
    %get3A_989 = vector.load %arg8[%get3A_987, %get3A_988] : memref<3x128xf32, #tpu.memory_space<vmem>>, vector<1x128xf32>
    %add3A_990 = vector.broadcast %get3A_989 : vector<1x128xf32> to vector<1024x128xf32>
    %add3A_991 = arith.addf %dot_general3A_986, %add3A_990 : vector<1024x128xf32>
    %max3A_992 = arith.constant 0.000000e+00 : f32
    %max3A_993 = vector.broadcast %max3A_992 : f32 to vector<1024x128xf32>
    %max3A_994 = arith.maximumf %add3A_991, %max3A_993 : vector<1024x128xf32>
    %mul3A_995 = vector.broadcast %dot_general3A_118 : vector<1024x1xf32> to vector<1024x128xf32>
    %mul3A_996 = arith.mulf %max3A_994, %mul3A_995 : vector<1024x128xf32>
    %reshape3A_997 = vector.shape_cast %mul3A_996 : vector<1024x128xf32> to vector<32x32x128xf32>
    %reduce_sum3A_998 = arith.constant dense<0.000000e+00> : vector<32x128xf32>
    %reduce_sum3A_999 = vector.multi_reduction <add>, %reshape3A_997, %reduce_sum3A_998 [1] : vector<32x32x128xf32> to vector<32x128xf32>
    %get3A_1000 = arith.constant 2 : index
    %get3A_1001 = arith.constant 0 : index
    %get3A_1002 = arith.constant 0 : index
    %get3A_1003 = vector.load %arg6[%get3A_1000, %get3A_1001, %get3A_1002] : memref<3x18x128xf32, #tpu.memory_space<vmem>>, vector<1x18x128xf32>
    %get3A_1004 = vector.shape_cast %get3A_1003 : vector<1x18x128xf32> to vector<18x128xf32>
    %slice3A_1005 = vector.extract_strided_slice %dot_general3A_794 {offsets = [192, 0], sizes = [32, 128], strides = [1, 1]} : vector<256x128xf32> to vector<32x128xf32>
    %slice3A_1006 = vector.extract_strided_slice %dot_general3A_801 {offsets = [192, 0], sizes = [32, 128], strides = [1, 1]} : vector<256x128xf32> to vector<32x128xf32>
    %concatenate3A_1007 = tpu.concatenate %get3A_1004, %slice3A_1005, %slice3A_1006 in 0 : vector<18x128xf32>, vector<32x128xf32>, vector<32x128xf32> -> vector<82x128xf32>
    %dot_general3A_1008 = arith.constant dense<0.000000e+00> : vector<1024x128xf32>
    %dot_general3A_1009 = tpu.matmul %concatenate3A_138, %concatenate3A_1007, %dot_general3A_1008 {dimension_numbers = #tpu.dot_dimension_numbers<[0], [0], [1], [1], [0, 1, 1, 1], [], []>, transpose_lhs_hint = false} : vector<82x1024xf32>, vector<82x128xf32>, vector<1024x128xf32> -> vector<1024x128xf32>
    %max3A_1010 = arith.constant 0.000000e+00 : f32
    %max3A_1011 = vector.broadcast %max3A_1010 : f32 to vector<1024x128xf32>
    %max3A_1012 = arith.maximumf %dot_general3A_1009, %max3A_1011 : vector<1024x128xf32>
    %get3A_1013 = arith.constant 2 : index
    %get3A_1014 = arith.constant 0 : index
    %get3A_1015 = arith.constant 0 : index
    %get3A_1016 = vector.load %arg7[%get3A_1013, %get3A_1014, %get3A_1015] : memref<3x128x128xf32, #tpu.memory_space<vmem>>, vector<1x128x128xf32>
    %get3A_1017 = vector.shape_cast %get3A_1016 : vector<1x128x128xf32> to vector<128x128xf32>
    %dot_general3A_1018 = arith.constant dense<0.000000e+00> : vector<1024x128xf32>
    %dot_general3A_1019 = tpu.matmul %max3A_1012, %get3A_1017, %dot_general3A_1018 {dimension_numbers = #tpu.dot_dimension_numbers<[1], [0], [0], [1], [0, 0, 1, 1], [], []>, transpose_lhs_hint = false} : vector<1024x128xf32>, vector<128x128xf32>, vector<1024x128xf32> -> vector<1024x128xf32>
    %get3A_1020 = arith.constant 2 : index
    %get3A_1021 = arith.constant 0 : index
    %get3A_1022 = vector.load %arg8[%get3A_1020, %get3A_1021] : memref<3x128xf32, #tpu.memory_space<vmem>>, vector<1x128xf32>
    %add3A_1023 = vector.broadcast %get3A_1022 : vector<1x128xf32> to vector<1024x128xf32>
    %add3A_1024 = arith.addf %dot_general3A_1019, %add3A_1023 : vector<1024x128xf32>
    %max3A_1025 = arith.constant 0.000000e+00 : f32
    %max3A_1026 = vector.broadcast %max3A_1025 : f32 to vector<1024x128xf32>
    %max3A_1027 = arith.maximumf %add3A_1024, %max3A_1026 : vector<1024x128xf32>
    %mul3A_1028 = vector.broadcast %dot_general3A_121 : vector<1024x1xf32> to vector<1024x128xf32>
    %mul3A_1029 = arith.mulf %max3A_1027, %mul3A_1028 : vector<1024x128xf32>
    %reshape3A_1030 = vector.shape_cast %mul3A_1029 : vector<1024x128xf32> to vector<32x32x128xf32>
    %reduce_sum3A_1031 = arith.constant dense<0.000000e+00> : vector<32x128xf32>
    %reduce_sum3A_1032 = vector.multi_reduction <add>, %reshape3A_1030, %reduce_sum3A_1031 [1] : vector<32x32x128xf32> to vector<32x128xf32>
    %get3A_1033 = arith.constant 2 : index
    %get3A_1034 = arith.constant 0 : index
    %get3A_1035 = arith.constant 0 : index
    %get3A_1036 = vector.load %arg6[%get3A_1033, %get3A_1034, %get3A_1035] : memref<3x18x128xf32, #tpu.memory_space<vmem>>, vector<1x18x128xf32>
    %get3A_1037 = vector.shape_cast %get3A_1036 : vector<1x18x128xf32> to vector<18x128xf32>
    %slice3A_1038 = vector.extract_strided_slice %dot_general3A_794 {offsets = [224, 0], sizes = [32, 128], strides = [1, 1]} : vector<256x128xf32> to vector<32x128xf32>
    %slice3A_1039 = vector.extract_strided_slice %dot_general3A_801 {offsets = [224, 0], sizes = [32, 128], strides = [1, 1]} : vector<256x128xf32> to vector<32x128xf32>
    %concatenate3A_1040 = tpu.concatenate %get3A_1037, %slice3A_1038, %slice3A_1039 in 0 : vector<18x128xf32>, vector<32x128xf32>, vector<32x128xf32> -> vector<82x128xf32>
    %dot_general3A_1041 = arith.constant dense<0.000000e+00> : vector<1024x128xf32>
    %dot_general3A_1042 = tpu.matmul %concatenate3A_140, %concatenate3A_1040, %dot_general3A_1041 {dimension_numbers = #tpu.dot_dimension_numbers<[0], [0], [1], [1], [0, 1, 1, 1], [], []>, transpose_lhs_hint = false} : vector<82x1024xf32>, vector<82x128xf32>, vector<1024x128xf32> -> vector<1024x128xf32>
    %max3A_1043 = arith.constant 0.000000e+00 : f32
    %max3A_1044 = vector.broadcast %max3A_1043 : f32 to vector<1024x128xf32>
    %max3A_1045 = arith.maximumf %dot_general3A_1042, %max3A_1044 : vector<1024x128xf32>
    %get3A_1046 = arith.constant 2 : index
    %get3A_1047 = arith.constant 0 : index
    %get3A_1048 = arith.constant 0 : index
    %get3A_1049 = vector.load %arg7[%get3A_1046, %get3A_1047, %get3A_1048] : memref<3x128x128xf32, #tpu.memory_space<vmem>>, vector<1x128x128xf32>
    %get3A_1050 = vector.shape_cast %get3A_1049 : vector<1x128x128xf32> to vector<128x128xf32>
    %dot_general3A_1051 = arith.constant dense<0.000000e+00> : vector<1024x128xf32>
    %dot_general3A_1052 = tpu.matmul %max3A_1045, %get3A_1050, %dot_general3A_1051 {dimension_numbers = #tpu.dot_dimension_numbers<[1], [0], [0], [1], [0, 0, 1, 1], [], []>, transpose_lhs_hint = false} : vector<1024x128xf32>, vector<128x128xf32>, vector<1024x128xf32> -> vector<1024x128xf32>
    %get3A_1053 = arith.constant 2 : index
    %get3A_1054 = arith.constant 0 : index
    %get3A_1055 = vector.load %arg8[%get3A_1053, %get3A_1054] : memref<3x128xf32, #tpu.memory_space<vmem>>, vector<1x128xf32>
    %add3A_1056 = vector.broadcast %get3A_1055 : vector<1x128xf32> to vector<1024x128xf32>
    %add3A_1057 = arith.addf %dot_general3A_1052, %add3A_1056 : vector<1024x128xf32>
    %max3A_1058 = arith.constant 0.000000e+00 : f32
    %max3A_1059 = vector.broadcast %max3A_1058 : f32 to vector<1024x128xf32>
    %max3A_1060 = arith.maximumf %add3A_1057, %max3A_1059 : vector<1024x128xf32>
    %mul3A_1061 = vector.broadcast %dot_general3A_124 : vector<1024x1xf32> to vector<1024x128xf32>
    %mul3A_1062 = arith.mulf %max3A_1060, %mul3A_1061 : vector<1024x128xf32>
    %reshape3A_1063 = vector.shape_cast %mul3A_1062 : vector<1024x128xf32> to vector<32x32x128xf32>
    %reduce_sum3A_1064 = arith.constant dense<0.000000e+00> : vector<32x128xf32>
    %reduce_sum3A_1065 = vector.multi_reduction <add>, %reshape3A_1063, %reduce_sum3A_1064 [1] : vector<32x32x128xf32> to vector<32x128xf32>
    %concatenate3A_1066 = tpu.concatenate %reduce_sum3A_834, %reduce_sum3A_867, %reduce_sum3A_900, %reduce_sum3A_933, %reduce_sum3A_966, %reduce_sum3A_999, %reduce_sum3A_1032, %reduce_sum3A_1065 in 0 : vector<32x128xf32>, vector<32x128xf32>, vector<32x128xf32>, vector<32x128xf32>, vector<32x128xf32>, vector<32x128xf32>, vector<32x128xf32>, vector<32x128xf32> -> vector<256x128xf32>
    %get3A_1067 = arith.constant 2 : index
    %get3A_1068 = arith.constant 0 : index
    %get3A_1069 = arith.constant 0 : index
    %get3A_1070 = vector.load %arg9[%get3A_1067, %get3A_1068, %get3A_1069] : memref<3x128x128xf32, #tpu.memory_space<vmem>>, vector<1x128x128xf32>
    %get3A_1071 = vector.shape_cast %get3A_1070 : vector<1x128x128xf32> to vector<128x128xf32>
    %dot_general3A_1072 = arith.constant dense<0.000000e+00> : vector<256x128xf32>
    %dot_general3A_1073 = tpu.matmul %add3A_787, %get3A_1071, %dot_general3A_1072 {dimension_numbers = #tpu.dot_dimension_numbers<[1], [0], [0], [1], [0, 0, 1, 1], [], []>, transpose_lhs_hint = false} : vector<256x128xf32>, vector<128x128xf32>, vector<256x128xf32> -> vector<256x128xf32>
    %get3A_1074 = arith.constant 2 : index
    %get3A_1075 = arith.constant 0 : index
    %get3A_1076 = arith.constant 0 : index
    %get3A_1077 = vector.load %arg10[%get3A_1074, %get3A_1075, %get3A_1076] : memref<3x128x128xf32, #tpu.memory_space<vmem>>, vector<1x128x128xf32>
    %get3A_1078 = vector.shape_cast %get3A_1077 : vector<1x128x128xf32> to vector<128x128xf32>
    %dot_general3A_1079 = arith.constant dense<0.000000e+00> : vector<256x128xf32>
    %dot_general3A_1080 = tpu.matmul %concatenate3A_1066, %get3A_1078, %dot_general3A_1079 {dimension_numbers = #tpu.dot_dimension_numbers<[1], [0], [0], [1], [0, 0, 1, 1], [], []>, transpose_lhs_hint = false} : vector<256x128xf32>, vector<128x128xf32>, vector<256x128xf32> -> vector<256x128xf32>
    %add3A_1081 = arith.addf %dot_general3A_1073, %dot_general3A_1080 : vector<256x128xf32>
    %get3A_1082 = arith.constant 2 : index
    %get3A_1083 = arith.constant 0 : index
    %get3A_1084 = vector.load %arg11[%get3A_1082, %get3A_1083] : memref<3x128xf32, #tpu.memory_space<vmem>>, vector<1x128xf32>
    %add3A_1085 = vector.broadcast %get3A_1084 : vector<1x128xf32> to vector<256x128xf32>
    %add3A_1086 = arith.addf %add3A_1081, %add3A_1085 : vector<256x128xf32>
    %max3A_1087 = arith.constant 0.000000e+00 : f32
    %max3A_1088 = vector.broadcast %max3A_1087 : f32 to vector<256x128xf32>
    %max3A_1089 = arith.maximumf %add3A_1086, %max3A_1088 : vector<256x128xf32>
    %get3A_1090 = arith.constant 2 : index
    %get3A_1091 = arith.constant 0 : index
    %get3A_1092 = arith.constant 0 : index
    %get3A_1093 = vector.load %arg12[%get3A_1090, %get3A_1091, %get3A_1092] : memref<3x128x128xf32, #tpu.memory_space<vmem>>, vector<1x128x128xf32>
    %get3A_1094 = vector.shape_cast %get3A_1093 : vector<1x128x128xf32> to vector<128x128xf32>
    %dot_general3A_1095 = arith.constant dense<0.000000e+00> : vector<256x128xf32>
    %dot_general3A_1096 = tpu.matmul %max3A_1089, %get3A_1094, %dot_general3A_1095 {dimension_numbers = #tpu.dot_dimension_numbers<[1], [0], [0], [1], [0, 0, 1, 1], [], []>, transpose_lhs_hint = false} : vector<256x128xf32>, vector<128x128xf32>, vector<256x128xf32> -> vector<256x128xf32>
    %get3A_1097 = arith.constant 2 : index
    %get3A_1098 = arith.constant 0 : index
    %get3A_1099 = vector.load %arg13[%get3A_1097, %get3A_1098] : memref<3x128xf32, #tpu.memory_space<vmem>>, vector<1x128xf32>
    %add3A_1100 = vector.broadcast %get3A_1099 : vector<1x128xf32> to vector<256x128xf32>
    %add3A_1101 = arith.addf %dot_general3A_1096, %add3A_1100 : vector<256x128xf32>
    %mul3A_1102 = arith.constant 2.000000e+00 : f32
    %mul3A_1103 = vector.broadcast %mul3A_1102 : f32 to vector<256x128xf32>
    %mul3A_1104 = arith.mulf %mul3A_1103, %add3A_787 : vector<256x128xf32>
    %add3A_1105 = arith.addf %mul3A_1104, %add3A_1101 : vector<256x128xf32>
    %reshape3A_1106 = vector.shape_cast %add3A_1105 : vector<256x128xf32> to vector<8x32x128xf32>
    %slice3A_1107 = vector.extract_strided_slice %reshape3A_1106 {offsets = [0, 0, 0], sizes = [8, 25, 128], strides = [1, 1, 1]} : vector<8x32x128xf32> to vector<8x25x128xf32>
    %reduce_sum3A_1108 = arith.constant dense<0.000000e+00> : vector<8x128xf32>
    %reduce_sum3A_1109 = vector.multi_reduction <add>, %slice3A_1107, %reduce_sum3A_1108 [1] : vector<8x25x128xf32> to vector<8x128xf32>
    %mul3A_1110 = arith.constant 4.000000e-02 : f32
    %mul3A_1111 = vector.broadcast %mul3A_1110 : f32 to vector<8x128xf32>
    %mul3A_1112 = arith.mulf %reduce_sum3A_1109, %mul3A_1111 : vector<8x128xf32>
    %reshape3A_1113 = vector.shape_cast %mul3A_1112 : vector<8x128xf32> to vector<1x8x128xf32>
    %swap3A = arith.constant 0 : index
    %swap3A_1114 = arith.constant 0 : index
    %swap3A_1115 = arith.constant 0 : index
    %swap3A_1116 = vector.load %arg14[%swap3A, %swap3A_1114, %swap3A_1115] : memref<1x8x128xf32, #tpu.memory_space<vmem>>, vector<1x8x128xf32>
    tpu.vector_store %arg14[%swap3A, %swap3A_1114, %swap3A_1115], %reshape3A_1113 {strides = array<i32>} : memref<1x8x128xf32, #tpu.memory_space<vmem>>, vector<1x8x128xf32>,
    return
  }
  func.func @transform_0(%arg0: i32) -> (i32, i32, i32) {
    %c0_i32 = arith.constant 0 : i32
    %c0_i32_0 = arith.constant 0 : i32
    %c0_i32_1 = arith.constant 0 : i32
    return %arg0, %c0_i32, %c0_i32_0 : i32, i32, i32
  }
  func.func @transform_1(%arg0: i32) -> (i32, i32) {
    %c0_i32 = arith.constant 0 : i32
    %c0_i32_0 = arith.constant 0 : i32
    return %arg0, %c0_i32 : i32, i32
  }
  func.func @transform_2(%arg0: i32) -> (i32, i32) {
    %c0_i32 = arith.constant 0 : i32
    %c0_i32_0 = arith.constant 0 : i32
    %c0_i32_1 = arith.constant 0 : i32
    return %c0_i32, %c0_i32_0 : i32, i32
  }
  func.func @transform_3(%arg0: i32) -> (i32, i32, i32) {
    %c0_i32 = arith.constant 0 : i32
    %c0_i32_0 = arith.constant 0 : i32
    %c0_i32_1 = arith.constant 0 : i32
    %c0_i32_2 = arith.constant 0 : i32
    return %c0_i32, %c0_i32_0, %c0_i32_1 : i32, i32, i32
  }
  func.func @transform_4(%arg0: i32) -> (i32, i32, i32) {
    %c0_i32 = arith.constant 0 : i32
    %c0_i32_0 = arith.constant 0 : i32
    %c0_i32_1 = arith.constant 0 : i32
    %c0_i32_2 = arith.constant 0 : i32
    return %c0_i32, %c0_i32_0, %c0_i32_1 : i32, i32, i32
  }
  func.func @transform_5(%arg0: i32) -> (i32, i32, i32) {
    %c0_i32 = arith.constant 0 : i32
    %c0_i32_0 = arith.constant 0 : i32
    %c0_i32_1 = arith.constant 0 : i32
    %c0_i32_2 = arith.constant 0 : i32
    return %c0_i32, %c0_i32_0, %c0_i32_1 : i32, i32, i32
  }
  func.func @transform_6(%arg0: i32) -> (i32, i32, i32) {
    %c0_i32 = arith.constant 0 : i32
    %c0_i32_0 = arith.constant 0 : i32
    %c0_i32_1 = arith.constant 0 : i32
    %c0_i32_2 = arith.constant 0 : i32
    return %c0_i32, %c0_i32_0, %c0_i32_1 : i32, i32, i32
  }
  func.func @transform_7(%arg0: i32) -> (i32, i32) {
    %c0_i32 = arith.constant 0 : i32
    %c0_i32_0 = arith.constant 0 : i32
    %c0_i32_1 = arith.constant 0 : i32
    return %c0_i32, %c0_i32_0 : i32, i32
  }
  func.func @transform_8(%arg0: i32) -> (i32, i32, i32) {
    %c0_i32 = arith.constant 0 : i32
    %c0_i32_0 = arith.constant 0 : i32
    %c0_i32_1 = arith.constant 0 : i32
    %c0_i32_2 = arith.constant 0 : i32
    return %c0_i32, %c0_i32_0, %c0_i32_1 : i32, i32, i32
  }
  func.func @transform_9(%arg0: i32) -> (i32, i32, i32) {
    %c0_i32 = arith.constant 0 : i32
    %c0_i32_0 = arith.constant 0 : i32
    %c0_i32_1 = arith.constant 0 : i32
    %c0_i32_2 = arith.constant 0 : i32
    return %c0_i32, %c0_i32_0, %c0_i32_1 : i32, i32, i32
  }
  func.func @transform_10(%arg0: i32) -> (i32, i32) {
    %c0_i32 = arith.constant 0 : i32
    %c0_i32_0 = arith.constant 0 : i32
    %c0_i32_1 = arith.constant 0 : i32
    return %c0_i32, %c0_i32_0 : i32, i32
  }
  func.func @transform_11(%arg0: i32) -> (i32, i32, i32) {
    %c0_i32 = arith.constant 0 : i32
    %c0_i32_0 = arith.constant 0 : i32
    %c0_i32_1 = arith.constant 0 : i32
    %c0_i32_2 = arith.constant 0 : i32
    return %c0_i32, %c0_i32_0, %c0_i32_1 : i32, i32, i32
  }
  func.func @transform_12(%arg0: i32) -> (i32, i32) {
    %c0_i32 = arith.constant 0 : i32
    %c0_i32_0 = arith.constant 0 : i32
    %c0_i32_1 = arith.constant 0 : i32
    return %c0_i32, %c0_i32_0 : i32, i32
  }
  func.func @transform_13(%arg0: i32) -> (i32, i32, i32) {
    %c0_i32 = arith.constant 0 : i32
    %c0_i32_0 = arith.constant 0 : i32
    %c0_i32_1 = arith.constant 0 : i32
    return %arg0, %c0_i32, %c0_i32_0 : i32, i32, i32
  }
}

</mosaic_0001>

<sc_bundles>
// kernel: sparse-core-data-format-call.1.cloned.1.call-start
scs
called_computation.1_lowered:
.L_overlay_start_0:
0x0: {  	s1 =	sld [smem:$0x3FD9]  }
0x1: {  	s2 =	sld [smem:$0x3FFE];
	_ =	sdelay $0x1  }
0x2: {  	s3 =	srdreg.scid  }
0x3: {  	s0 =	sand.u32 $0x1, s3  }
0x4: {  	s17 =	sshll.u32 s0, $0xA;
	s1 =	sadd.s32 s2, s1  }
0x5: {  	s1 =	sadd.s32 s1, s17  }
0x6: {  	[smem:$0x3FBD] =	sst s1  }
0x7: {  	_ = 	snop  }
0x8: {  	(tm) =	ssettm $0x1  }
0x9: {  	s18 =	sld [smem:$0x3FFB];
	_ =	sdelay $0x3  }
0xa: {  	_ =	strace s18  }
0xb: {  	s1 =	sld [smem:$0x3FFC];
	_ =	sdelay $0x3  }
0xc: {  	_ =	strace s1  }
0xd: {  	s1 =	sld [smem:$0x3FFD];
	_ =	sdelay $0x3  }
0xe: {  	_ =	strace s1  }
0xf: {  	_ =	strace $0x8FFFFFFF  }
0x10: {  	s19 =	sld [smem:$0x3FDB];
	_ =	sdelay $0x1  }
0x11: {  	s20 =	simm.s32 $_scs_section_size  }
0x12: {  	s4 =	simm.s32 $_size__tile_overlayer_lowered;
	s5 =	simm.s32 $_tile_overlayer_lowered  }
0x13: {  	s23 =	simm.s32 $0x1BFF;
	s22 =	sshll.u32 s5, $0x1;
	s1 =	sadd.s32 s20, s19  }
0x14: {  	s6 =	simm.s32 $0x0;
	s21 =	sshll.u32 s4, $0x1;
	s4 =	sadd.s32 s22, s1  }
0x15: {  	[timem:s6], [sflag:s23] =	dma.local [hbm:s4], s21  }
0x16: {  	_ =	swait.ge [sflag:s23], s21  }
0x17: {  	s2 =	ssub.s32 $0x0, s21;
	[sflag:s23] =	ssyncset.done $0x0  }
0x18: {  	[sflag:s23] =	ssyncadd.s32 s2;
	_ =	sdelay $0x1  }
0x19: {  	s24 =	simm.s32 $0x1B8B  }
0x1a: {  	_ =	swait.ge [sflag:s24], $0x1  }
0x1b: {  	[sflag:s24] =	ssyncset.done $0x0  }
0x1c: {  	s26 =	simm.s32 $0x1B8E;
	s25 =	sld [smem:$0x3FFE];
	[sflag:s24] =	ssyncadd.s32 $0xFFFFFFFF  }
0x1d: {  	s27 =	simm.s32 $execute0_lowered;
	[smem:$0x3FD2] =	sst s26  }
0x1e: {  	s4 =	sshll.u32 s27, $0x1;
	_ =	strace $0x80000046;
	[dreg:$0x1] =	wrdreg $0xFFFFFFFF  }
0x1f: {  	s28 =	simm.s32 $_size_execute0_lowered;
	s1 =	sadd.s32 s1, s4;
	[dreg:$0x0] =	wrdreg $0x0  }
0x20: {  	s4 =	sshll.u32 s28, $0x1;
	[dreg:$0x2] =	wrdreg s1  }
0x21: {  	[dreg:$0x3] =	wrdreg s4  }
0x22: {  	[dreg:$0x4] =	wrdreg $0xC0  }
0x23: {  	_ =	task [dreg:s6], $0x5FFFF  }
0x24: {  	[dreg:$0x1] =	wrdreg $0xFFFFFFFF  }
0x25: {  	[dreg:$0x0] =	wrdreg $0x60  }
0x26: {  	[dreg:$0x2] =	wrdreg s25  }
0x27: {  	[dreg:$0x3] =	wrdreg $0x9  }
0x28: {  	_ =	task.clear_ibuf [dreg:s6], $0x4FFFF;
	_ =	strace $0x90000046  }
0x29: {  	s29 =	simm.s32 $0x9;
	_ =	strace $0x80000048  }
0x2a: {  	_ =	swait.ge [sflag:s29], $0x1  }
0x2b: {  	[sflag:s29] =	ssyncadd.s32 $0xFFFFFFFF  }
0x2c: {  	_ =	strace $0x90000048  }
0x2d: {  	_ =	sfence  }
0x2e: {  	s30 =	sld [smem:$0x0];
	_ =	sdelay $0x2  }
0x2f: {  	s31 =	sshll.u32 s3, $0xD;
	s3 =	sshrl.u32 s3, $0x2  }
0x30: {  	s2 =	sand.u32 $0x4000, s31;
	s1 =	sadd.s32 s3, s30  }
0x31: {  	s0 =	sor.u32 s2, s0;
	s1 =	sshll.u32 s1, $0x11  }
0x32: {  	s0 =	sor.u32 s1, s0  }
0x33: {  	s0 =	sadd.s32 $0x8F2B, s0  }
0x34: {  	[sflag:s0] =	ssyncadd.remote.s32 $0x1  }
0x35: {  	_ =	sfence.sel $0xFFFF  }
0x36: {  	[dreg:$0x0] =	wrdreg $0xFFFFFFFF;
	(pc) =	sbr.abs _section_cstart, $3  }
0x37: {  	[dreg:$0x1] =	wrdreg $0xFFFFFFFF  }
0x38: {  	_ =	task.clear_ibuf [dreg:s6], $0x2FFFF;
	_ =	strace $0x9FFFFFFF  }
0x39: {  	(tm) =	ssettm $0x7FFFFFFF  }
tec
execute0_lowered:
.L_overlay_start_1:
0x0: {  	(tag) =	ssettag $0x1  }
0x1: {  	s6 =	stileid.u32;
	s0 =	rddreg [dreg:$0x0]  }
0x2: {  	_ =	strace $0x80000047;
	s4 =	srdreg.scid;
	s30 =	simm.s32 $0x1  }
0x3: {  	s31 =	simm.s32 $0x2;
	s22 =	simm.s32 $0x0;
	p0 =	por $0x0, $0x0  }
0x4: {  	s21 =	simm.s32 $0x0;
	s24 =	simm.s32 $0x0;
	s23 =	simm.s32 $0x0  }
0x5: {  	s25 =	simm.s32 $0x0;
	s10 =	simm.s32 $0x0;
	s11 =	simm.s32 $0x0  }
0x6: {  	s12 =	simm.s32 $0x0;
	s13 =	simm.s32 $0x0;
	s2 =	sand.u32 $0x1, s6  }
0x7: {  	s14 =	simm.s32 $0x0;
	s15 =	simm.s32 $0x0;
	s1 =	ssub.s32 $0x2, s2  }
0x8: {  	s16 =	simm.s32 $0x0;
	s17 =	simm.s32 $0x0;
	s3 =	sshll.u32 s1, $0x1  }
0x9: {  	s4 =	sshll.u32 s4, $0x4;
	[sflag:s30] =	ssyncpa.u1 $0x0;
	s5 =	sand.u32 $0x2, s3  }
.Ltmp0:
0xa: {  	s29 =	sand.u32 $0x10, s4;
	s1 =	sadd.s32 s1, s5;
	(pc) =	sbr.rel .LBB1_1-.Ltmp0, $4  }
0xb: {  	s3 =	sadd.s32 $0xC1E00, s0;
	s0 =	sadd.s32 $0x241E00, s0;
	s1 =	sand.u32 $0x6, s1  }
0xc: {  	[dreg:$0x2] =	wrdreg s0;
	s0 =	sor.u32 s6, s29;
	s6 =	smul.u32 $0xC, s1  }
0xd: {  	s20 =	simm.s32 $0x0;
	[sflag:s31] =	ssyncpa.u1 $0x0;
	s7 =	sshrl.u32 s0, $0x1  }
0xe: {  	s19 =	smov.u32 s2;
	s18 =	smov.u32 s7;
	s8 =	sor.u32 $0x1, s6  }
.LBB1_4:
0xf: {  	_ =	sdelay $0x3  }
0x10: {  	s1 =	sor.u32 s5, s4;
	v31 =	vld.idx.msk [tilespmem:v0+s28+$0xC70 ss:$0x1], $0xffff  }
0x11: {  	v43 =	vld.idx.msk [tilespmem:v0+s1+$0x410 ss:$0x1], $0xffff  }
0x12: {  	v44 =	vld.idx.msk [tilespmem:v0+s1+$0x420 ss:$0x1], $0xffff  }
0x13: {  	v45 =	vld.idx.msk [tilespmem:v0+s1+$0x430 ss:$0x1], $0xffff  }
0x14: {  	v46 =	vld.idx.msk [tilespmem:v0+s1+$0x440 ss:$0x1], $0xffff  }
0x15: {  	v47 =	vld.idx.msk [tilespmem:v0+s1+$0x450 ss:$0x1], $0xffff  }
0x16: {  	v48 =	vld.idx.msk [tilespmem:v0+s1+$0x460 ss:$0x1], $0xffff  }
0x17: {  	v49 =	vld.idx.msk [tilespmem:v0+s1+$0x470 ss:$0x1], $0xffff  }
0x18: {  	[tilespmem:s30+$0x2D60 ss:$0x21] =	vst.msk $0xffff, v7;
	v50 =	vld.idx.msk [tilespmem:v0+s1+$0x810 ss:$0x1], $0xffff  }
0x19: {  	[tilespmem:s30+$0x2F70 ss:$0x21] =	vst.msk $0xffff, v6;
	v51 =	vld.idx.msk [tilespmem:v0+s1+$0x820 ss:$0x1], $0xffff  }
0x1a: {  	[tilespmem:s30+$0x3390 ss:$0x21] =	vst.msk $0xffff, v3;
	v52 =	vld.idx.msk [tilespmem:v0+s1+$0x830 ss:$0x1], $0xffff  }
0x1b: {  	[tilespmem:s30+$0x35A0 ss:$0x21] =	vst.msk $0xffff, v1;
	v53 =	vld.idx.msk [tilespmem:v0+s1+$0x840 ss:$0x1], $0xffff  }
0x1c: {  	[tilespmem:s30+$0x37B0 ss:$0x21] =	vst.msk $0xffff, v2;
	v54 =	vld.idx.msk [tilespmem:v0+s1+$0x850 ss:$0x1], $0xffff  }
0x1d: {  	[tilespmem:s30+$0x39C0 ss:$0x21] =	vst.msk $0xffff, v4;
	s4 =	sand.u32 $0x3200, s1;
	v55 =	vld.idx.msk [tilespmem:v0+s1+$0x860 ss:$0x1], $0xffff  }
0x1e: {  	s0 =	sand.u32 $0x180, s0;
	[tilespmem:s30+$0x3BD0 ss:$0x21] =	vst.msk $0xffff, v5;
	v56 =	vld.idx.msk [tilespmem:v0+s1+$0x870 ss:$0x1], $0xffff;
	s4 =	sadd.s32 s4, s27  }
0x1f: {  	s28 =	sshra.s32 s31, $0x2;
	[tilespmem:s30+$0x3DE0 ss:$0x21] =	vst.msk $0xffff, v8;
	v57 =	vld.idx.msk [tilespmem:v0+s1+$0xC10 ss:$0x1], $0xffff;
	s0 =	sadd.s32 s0, s4  }
0x20: {  	s27 =	sadd.s32 s28, s29;
	v32 =	vld [tilespmem:s0+$0xC00];
	[tilespmem:s30+$0x3FF0 ss:$0x21] =	vst.msk $0xffff, v31  }
0x21: {  	v33 =	vld [tilespmem:s0+$0x0];
	[tilespmem:s27+$0x1290 ss:$0x21] =	vst.msk $0xffff, v43  }
0x22: {  	v34 =	vld [tilespmem:s0+$0x10];
	[tilespmem:s27+$0x14A0 ss:$0x21] =	vst.msk $0xffff, v44  }
0x23: {  	v35 =	vld [tilespmem:s0+$0x20];
	[tilespmem:s27+$0x16B0 ss:$0x21] =	vst.msk $0xffff, v45  }
0x24: {  	v36 =	vld [tilespmem:s0+$0x30];
	[tilespmem:s27+$0x18C0 ss:$0x21] =	vst.msk $0xffff, v46  }
0x25: {  	v37 =	vld [tilespmem:s0+$0x40];
	[tilespmem:s27+$0x1AD0 ss:$0x21] =	vst.msk $0xffff, v47  }
0x26: {  	v38 =	vld [tilespmem:s0+$0x50];
	[tilespmem:s27+$0x1CE0 ss:$0x21] =	vst.msk $0xffff, v48  }
0x27: {  	v39 =	vld [tilespmem:s0+$0x60];
	[tilespmem:s27+$0x1EF0 ss:$0x21] =	vst.msk $0xffff, v49  }
0x28: {  	p1 =	sgt.s32 s14, $0x1;
	v40 =	vld [tilespmem:s0+$0x70];
	[tilespmem:s27+$0x2310 ss:$0x21] =	vst.msk $0xffff, v50  }
0x29: {  	s5 =	smov.u32 s12;
	s31 =	sshra.s32 s13, $0x1F;
	s29 =	sshra.s32 s14, $0x1F;
	v41 =	vld [tilespmem:s0+$0x400];
	[tilespmem:s27+$0x2520 ss:$0x21] =	vst.msk $0xffff, v51  }
0x2a: {  	s28 =	smov.u32 s10;
	s4 =	smov.u32 s14;
	v42 =	vld [tilespmem:s0+$0x800];
	s0 =	sand.u32 s29, s14;
	[tilespmem:s27+$0x2730 ss:$0x21] =	vst.msk $0xffff, v52  }
0x2b: {  	v58 =	vld.idx.msk [tilespmem:v0+s1+$0xC20 ss:$0x1], $0xffff;
	s4 =	simm.s32 @!p1 $0x1;
	p1 =	sgt.s32 s12, $0x2;
	s29 =	sand.u32 s31, s13;
	[tilespmem:s27+$0x2940 ss:$0x21] =	vst.msk $0xffff, v53  }
0x2c: {  	v59 =	vld.idx.msk [tilespmem:v0+s1+$0xC30 ss:$0x1], $0xffff;
	s31 =	sshra.s32 s11, $0x1F;
	s0 =	sxor.u32 $0xFFFFFFFF, s0;
	s30 =	sshra.s32 s12, $0x1F;
	[tilespmem:s27+$0x2B50 ss:$0x21] =	vst.msk $0xffff, v54  }
0x2d: {  	s5 =	simm.s32 @!p1 $0x2;
	s0 =	sadd.s32 s0, s4;
	s4 =	sand.u32 s30, s12;
	[tilespmem:s27+$0x2D60 ss:$0x21] =	vst.msk $0xffff, v55  }
0x2e: {  	[tilespmem:s27+$0x2F70 ss:$0x21] =	vst.msk $0xffff, v56;
	p1 =	sgt.s32 s0, $0x0;
	s0 =	ssub.s32 $0x1, s0;
	s4 =	ssub.s32 s5, s4  }
0x2f: {  	[tilespmem:s27+$0x3390 ss:$0x21] =	vst.msk $0xffff, v57;
	s5 =	smov.u32 s13;
	s0 =	simm.s32 @p1 $0x0;
	p1 =	sgt.s32 s13, $0x1F  }
0x30: {  	[tilespmem:s27+$0x35A0 ss:$0x21] =	vst.msk $0xffff, v58;
	s9 =	sadd.s32 $0xFFFFFFFE, s4;
	s4 =	ssub.s32 $0x3, s4;
	s5 =	simm.s32 @!p1 $0x1F  }
0x31: {  	[tilespmem:s27+$0x37B0 ss:$0x21] =	vst.msk $0xffff, v59;
	p1 =	sgt.s32 s9, $0x0;
	s9 =	smov.u32 s11;
	s5 =	ssub.s32 s5, s29  }
0x32: {  	[tilespmem:s27+$0x3180 ss:$0x21] =	vst.msk $0xffff, v32;
	s4 =	simm.s32 @p1 $0x0;
	p1 =	sgt.s32 s11, $0x60;
	s30 =	sadd.s32 $0xFFFFFFE1, s5  }
0x33: {  	[tilespmem:s27+$0x0 ss:$0x21] =	vst.msk $0xffff, v33;
	s9 =	simm.s32 @!p1 $0x60;
	s5 =	ssub.s32 $0x20, s5;
	p1 =	sgt.s32 s30, $0x0  }
0x34: {  	[tilespmem:s27+$0x210 ss:$0x21] =	vst.msk $0xffff, v34;
	s29 =	sshll.u32 s13, $0x7;
	s30 =	sand.u32 s31, s11;
	s5 =	simm.s32 @p1 $0x0  }
0x35: {  	[tilespmem:s27+$0x420 ss:$0x21] =	vst.msk $0xffff, v35;
	s9 =	ssub.s32 s9, s30;
	p1 =	sgt.s32 s10, $0x5D0;
	s30 =	sshll.u32 s11, $0x3  }
0x36: {  	[tilespmem:s27+$0x630 ss:$0x21] =	vst.msk $0xffff, v36;
	s31 =	sadd.s32 $0xFFFFFFA0, s9;
	s0 =	smul.u32 s0, s5;
	s5 =	sand.u32 $0xC00, s29  }
0x37: {  	[tilespmem:s27+$0x840 ss:$0x21] =	vst.msk $0xffff, v37;
	s28 =	simm.s32 @!p1 $0x5D0;
	s30 =	sand.u32 $0xC00, s30;
	s9 =	ssub.s32 $0x80, s9  }
0x38: {  	v60 =	vld.idx.msk [tilespmem:v0+s1+$0xC40 ss:$0x1], $0xffff;
	[tilespmem:s27+$0xA50 ss:$0x21] =	vst.msk $0xffff, v38;
	p1 =	sgt.s32 s31, $0x1F;
	s31 =	sshra.s32 s10, $0x1F;
	s5 =	sadd.s32 s5, s30  }
0x39: {  	v61 =	vld.idx.msk [tilespmem:v0+s1+$0xC50 ss:$0x1], $0xffff;
	[tilespmem:s27+$0xC60 ss:$0x21] =	vst.msk $0xffff, v39;
	s30 =	sand.u32 $0x380, s29;
	s0 =	smul.u32 s4, s0;
	s4 =	sand.u32 s31, s10  }
0x3a: {  	v62 =	vld.idx.msk [tilespmem:v0+s1+$0xC60 ss:$0x1], $0xffff;
	[tilespmem:s27+$0xE70 ss:$0x21] =	vst.msk $0xffff, v40;
	s29 =	smul.u32 $0x2EE000, s14;
	s30 =	sor.u32 s30, s5;
	s4 =	ssub.s32 s28, s4  }
0x3b: {  	v63 =	vld.idx.msk [tilespmem:v0+s1+$0xC70 ss:$0x1], $0xffff;
	[tilespmem:s27+$0x1080 ss:$0x21] =	vst.msk $0xffff, v41;
	s9 =	simm.s32 @p1 $0x0;
	s1 =	sshrl.u32 s30, $0x3;
	s31 =	sadd.s32 $0xFFFFFA30, s4  }
0x3c: {  	[tilespmem:s27+$0x2100 ss:$0x21] =	vst.msk $0xffff, v42;
	s0 =	smul.u32 s9, s0;
	s4 =	ssub.s32 $0x7D0, s4;
	p1 =	sgt.s32 s31, $0x1FF  }
0x3d: {  	s28 =	rddreg [dreg:$0x2];
	s31 =	smul.u32 $0xFA000, s12;
	s4 =	simm.s32 @p1 $0x0  }
0x3e: {  	s30 =	sshrl.u32 s11, $0x3;
	s0 =	smul.u32 s4, s0;
	s4 =	sadd.s32 s28, s29  }
0x3f: {  	[tilespmem:s27+$0x39C0 ss:$0x21] =	vst.msk $0xffff, v60;
	s1 =	sand.u32 $0x1F0, s1;
	s29 =	sshll.u32 s10, $0x9;
	s4 =	sadd.s32 s31, s4  }
0x40: {  	[tilespmem:s27+$0x3BD0 ss:$0x21] =	vst.msk $0xffff, v61;
	s28 =	sand.u32 $0x7, s11;
	s31 =	sand.u32 $0xF, s30;
	s4 =	sadd.s32 s29, s4  }
0x41: {  	[tilespmem:s27+$0x3DE0 ss:$0x21] =	vst.msk $0xffff, v62;
	s29 =	sshll.u32 s28, $0x12;
	s0 =	sand.u32 $0x3FFFFFFF, s0;
	s4 =	sadd.s32 s31, s4  }
0x42: {  	[tilespmem:s27+$0x3FF0 ss:$0x21] =	vst.msk $0xffff, v63;
	s30 =	sor.u32 $0x20, s29;
	s31 =	simm.s32 $0x1000;
	s1 =	sadd.s32 s1, s4  }
0x43: {  	[hbm4b:s1+s30] =	stream.strided.scatter [tilespmem:s26], [sflag:$0x2], s0, s31, s30, $0x10;
	[tilespmem:$0x10400] =	vst v63  }
.LBB1_5:
0x44: {  	p1 =	slt.u32 s20, $0x2;
	s0 =	smov.u32 s25  }
0x45: {  	s4 =	smov.u32 s24;
	s9 =	smov.u32 s23;
	s26 =	sadd.s32 $0x200, s15  }
0x46: {  	s27 =	smov.u32 s16;
	p0 =	por !p0, !p0;
	p2 =	sgt.s32 @!p1 s25, $0x1  }
0x47: {  	s1 =	sshra.s32 @!p1 s25, $0x1F;
	s5 =	sshra.s32 @!p1 s24, $0x1F;
	p4 =	sgt.s32 @!p1 s22, $0x5D0  }
0x48: {  	p2 =	por !p2, p1;
	s1 =	sand.u32 @!p1 s1, s25;
	s5 =	sand.u32 @!p1 s5, s24  }
0x49: {  	s25 =	smov.u32 s14;
	s14 =	smov.u32 s19;
	s0 =	simm.s32 @p2 $0x1  }
0x4a: {  	p2 =	sgt.s32 @!p1 s24, $0x2;
	s1 =	sxor.u32 @!p1 $0xFFFFFFFF, s1;
	s24 =	smov.u32 s12  }
0x4b: {  	s12 =	smov.u32 s17;
	p2 =	por !p2, p1;
	s0 =	sadd.s32 @!p1 s1, s0  }
0x4c: {  	s4 =	simm.s32 @p2 $0x2;
	p2 =	sgt.s32 @!p1 s0, $0x0;
	s0 =	ssub.s32 @!p1 $0x1, s0  }
0x4d: {  	s1 =	ssub.s32 @!p1 s4, s5;
	p2 =	por !p2, p1;
	s5 =	sshra.s32 @!p1 s22, $0x1F  }
0x4e: {  	s4 =	sadd.s32 @!p1 $0xFFFFFFFE, s1;
	s1 =	ssub.s32 @!p1 $0x3, s1;
	s0 =	simm.s32 @!p2 $0x0  }
0x4f: {  	p2 =	por !p4, p1;
	s5 =	sand.u32 @!p1 s5, s22;
	p3 =	sgt.s32 @!p1 s4, $0x0  }
0x50: {  	s4 =	smov.u32 s22;
	s22 =	sshra.s32 @!p1 s23, $0x1F;
	p3 =	por !p3, p1  }
0x51: {  	s4 =	simm.s32 @p2 $0x5D0;
	p2 =	sgt.s32 @!p1 s23, $0x1F;
	s22 =	sand.u32 @!p1 s22, s23  }
0x52: {  	s23 =	sshra.s32 @!p1 s21, $0x1F;
	s1 =	simm.s32 @!p3 $0x0;
	p2 =	por !p2, p1  }
0x53: {  	s4 =	ssub.s32 @!p1 s4, s5;
	s9 =	simm.s32 @p2 $0x1F;
	p2 =	sgt.s32 @!p1 s21, $0x60  }
0x54: {  	s9 =	ssub.s32 @!p1 s9, s22;
	p2 =	por !p2, p1;
	s22 =	smov.u32 s21  }
0x55: {  	s21 =	sand.u32 @!p1 s23, s21;
	s23 =	sadd.s32 @!p1 $0xFFFFFFE1, s9;
	s22 =	simm.s32 @p2 $0x60  }
0x56: {  	s9 =	ssub.s32 @!p1 $0x20, s9;
	p2 =	sgt.s32 @!p1 s23, $0x0;
	s5 =	ssub.s32 @!p1 s22, s21  }
0x57: {  	s22 =	sadd.s32 @!p1 $0xFFFFFA30, s4;
	p2 =	por !p2, p1;
	s21 =	sadd.s32 @!p1 $0xFFFFFFA0, s5  }
0x58: {  	s4 =	ssub.s32 @!p1 $0x7D0, s4;
	s9 =	simm.s32 @!p2 $0x0;
	p2 =	sgt.s32 @!p1 s21, $0x1F  }
0x59: {  	s5 =	ssub.s32 @!p1 $0x80, s5;
	p4 =	sgt.s32 @!p1 s22, $0x1FF;
	p3 =	por !p2, p1  }
0x5a: {  	s0 =	smul.u32 @!p1 s0, s9;
	p2 =	sgt.s32 s26, $0x7CF;
	s9 =	sadd.s32 $0x20, s16  }
0x5b: {  	p4 =	por !p4, p1;
	s5 =	simm.s32 @!p3 $0x0;
	s27 =	smov.u32 @p2 s9  }
0x5c: {  	s0 =	smul.u32 @!p1 s1, s0;
	p3 =	sgt.s32 s27, $0x1F;
	s1 =	simm.s32 $0x1  }
0x5d: {  	s23 =	smov.u32 s13;
	s4 =	simm.s32 @!p4 $0x0;
	s1 =	simm.s32 @!p3 $0x0  }
0x5e: {  	s26 =	simm.s32 @p2 $0x0;
	s0 =	smul.u32 @!p1 s5, s0;
	s1 =	sadd.s32 s1, s17  }
0x5f: {  	s9 =	smov.u32 s18;
	s5 =	sadd.s32 $0x10, s18;
	p2 =	sgt.s32 s1, $0x2  }
0x60: {  	s27 =	simm.s32 @p3 $0x0;
	s0 =	smul.u32 @!p1 s4, s0;
	s9 =	smov.u32 @p2 s5  }
0x61: {  	s4 =	sadd.s32 $0x2, s19;
	s5 =	smov.u32 s19;
	p3 =	sgt.s32 s9, $0x1F  }
0x62: {  	s13 =	smov.u32 s18;
	s22 =	smov.u32 s10;
	s5 =	smov.u32 @p3 s4  }
0x63: {  	s10 =	smov.u32 s15;
	s1 =	simm.s32 @p2 $0x0;
	p2 =	sgt.s32 s5, $0x1  }
0x64: {  	s21 =	smov.u32 s11;
	s5 =	smov.u32 @p2 s2;
	p2 =	sne.s32 s20, s8  }
.Ltmp1:
0x65: {  	s11 =	smov.u32 s16;
	s15 =	smov.u32 s26;
	(pc) =	sbr.rel @!p2 .LBB1_6-.Ltmp1, $4  }
0x66: {  	s16 =	smov.u32 s27;
	s0 =	sand.u32 @!p1 $0x3FFFFFFF, s0;
	s4 =	simm.s32 @!p1 $0x2  }
0x67: {  	s17 =	smov.u32 s1;
	s9 =	smov.u32 @p3 s7;
	_ =	swait.ge @!p1 [sflag:s4], s0  }
0x68: {  	s0 =	ssub.s32 @!p1 $0x0, s0;
	s18 =	smov.u32 s9;
	[sflag:s4] =	ssyncset.done @!p1 $0x0  }
0x69: {  	s20 =	sadd.s32 $0x1, s20;
	[sflag:s4] =	ssyncadd.s32 @!p1 s0;
	s19 =	smov.u32 s5  }
.LBB1_1:
0x6a: {  	p1 =	sge.u32 s20, s6  }
0x6b: {  	s31 =	sadd.s32 $0xFFFFFFFF, s20;
	s0 =	sxor.u32 @!p1 $0xFFFFFFFF, s20  }
0x6c: {  	s1 =	sand.u32 @!p1 $0x78, s15;
	s4 =	sshll.u32 @!p1 s16, $0xB;
	s5 =	sshll.u32 @!p1 s15, $0x3  }
0x6d: {  	s9 =	sshll.u32 @!p1 s16, $0x7;
	s26 =	smul.u32 @!p1 $0xC0000, s19;
	s4 =	sand.u32 @!p1 $0xC000, s4  }
0x6e: {  	s0 =	sshll.u32 @!p1 s0, $0xE;
	s9 =	sand.u32 @!p1 $0x380, s9;
	s4 =	sadd.s32 @!p1 s4, s5  }
0x6f: {  	s5 =	sand.u32 @!p1 $0x400, s5;
	s1 =	sor.u32 @!p1 s9, s1;
	s9 =	smul.u32 @!p1 $0x6000, s18  }
0x70: {  	s0 =	sand.u32 @!p1 $0x4000, s0;
	s1 =	sor.u32 @!p1 s5, s1;
	s5 =	sadd.s32 @!p1 s3, s26  }
0x71: {  	s26 =	sshll.u32 @!p1 s17, $0xD;
	s4 =	sshrl.u32 @!p1 s4, $0x3;
	s5 =	sadd.s32 @!p1 s9, s5  }
0x72: {  	s4 =	sand.u32 @!p1 $0x1F00, s4;
	s9 =	sand.u32 @!p1 $0x7, s15;
	s5 =	sadd.s32 @!p1 s26, s5  }
0x73: {  	s1 =	sshrl.u32 @!p1 s1, $0x3;
	s4 =	sadd.s32 @!p1 s4, s5;
	s5 =	sshll.u32 @!p1 s9, $0x12  }
0x74: {  	s1 =	sadd.s32 @!p1 s1, s4;
	s4 =	sor.u32 @!p1 $0x1000, s5;
	s5 =	simm.s32 @!p1 $0x4000  }
0x75: {  	[tilespmem:s0], [sflag:$0x1] =	stream.strided.gather @!p1 [hbm4b:s1+s4], $0x4000, s5, s4, $0x38;
	[tilespmem:$0x10400] =	vst v63  }
0x76: {  	p1 =	sge.u32 s31, s6  }
.Ltmp2:
0x77: {  	_ = 	snop;
	(pc) =	sbr.rel @p1 .LBB1_5-.Ltmp2, $1  }
0x78: {  	_ =	sdelay $0x3  }
0x79: {  	s1 =	simm.s32 $0x0  }
0x7a: {  	s4 =	sand.u32 $0x3000, s1;
	s5 =	sand.u32 $0x380, s1  }
0x7b: {  	s0 =	sand.u32 $0x1, s20;
	s9 =	simm.s32 $0x1;
	s28 =	sor.u32 s5, s4  }
0x7c: {  	s27 =	sshll.u32 s0, $0xE;
	_ =	swait.ge [sflag:s9], $0x4000;
	s4 =	sand.u32 $0x3200, s28  }
0x7d: {  	s1 =	sand.u32 $0x180, s1;
	[sflag:s9] =	ssyncset.done $0x0;
	s4 =	sadd.s32 s4, s27  }
0x7e: {  	[sflag:s9] =	ssyncadd.s32 $0xFFFFC000;
	s1 =	sadd.s32 s1, s4  }
0x7f: {  	v4 =	vld [tilespmem:s1+$0xC00]  }
0x80: {  	v0 =	vmov s27;
	s5 =	simm.s32 $0x1;
	v5 =	vld [tilespmem:s1+$0x0]  }
0x81: {  	s5 =	simm.s32 @!p0 $0x0;
	v6 =	vld [tilespmem:s1+$0x10]  }
0x82: {  	s26 =	smul.u32 $0x10800, s5;
	v7 =	vld [tilespmem:s1+$0x20]  }
0x83: {  	v8 =	vld [tilespmem:s1+$0x30]  }
0x84: {  	s4 =	sshrl.u32 s26, $0x2;
	v9 =	vld [tilespmem:s1+$0x40]  }
0x85: {  	v1 =	vld.idx.msk [tilespmem:v0+s28+$0x410 ss:$0x1], $0xffff;
	s29 =	sor.u32 $0x8000, s4  }
0x86: {  	v2 =	vld.idx.msk [tilespmem:v0+s28+$0x420 ss:$0x1], $0xffff;
	s30 =	sadd.s32 $0x0, s29  }
0x87: {  	v3 =	vld.idx.msk [tilespmem:v0+s28+$0x430 ss:$0x1], $0xffff;
	[tilespmem:s30+$0x3180 ss:$0x21] =	vst.msk $0xffff, v4  }
0x88: {  	v10 =	vld.idx.msk [tilespmem:v0+s28+$0x820 ss:$0x1], $0xffff;
	[tilespmem:s30+$0x0 ss:$0x21] =	vst.msk $0xffff, v5  }
0x89: {  	v11 =	vld.idx.msk [tilespmem:v0+s28+$0x830 ss:$0x1], $0xffff;
	[tilespmem:s30+$0x210 ss:$0x21] =	vst.msk $0xffff, v6  }
0x8a: {  	v12 =	vld.idx.msk [tilespmem:v0+s28+$0x840 ss:$0x1], $0xffff;
	[tilespmem:s30+$0x420 ss:$0x21] =	vst.msk $0xffff, v7  }
0x8b: {  	v13 =	vld.idx.msk [tilespmem:v0+s28+$0x850 ss:$0x1], $0xffff;
	[tilespmem:s30+$0x630 ss:$0x21] =	vst.msk $0xffff, v8  }
0x8c: {  	v4 =	vld [tilespmem:s1+$0x50];
	[tilespmem:s30+$0x840 ss:$0x21] =	vst.msk $0xffff, v9  }
0x8d: {  	v5 =	vld [tilespmem:s1+$0x60];
	[tilespmem:s30+$0x1290 ss:$0x21] =	vst.msk $0xffff, v1  }
0x8e: {  	v6 =	vld [tilespmem:s1+$0x70];
	[tilespmem:s30+$0x14A0 ss:$0x21] =	vst.msk $0xffff, v2  }
0x8f: {  	v7 =	vld [tilespmem:s1+$0x400];
	[tilespmem:s30+$0x16B0 ss:$0x21] =	vst.msk $0xffff, v3  }
0x90: {  	v8 =	vld [tilespmem:s1+$0x800];
	[tilespmem:s30+$0x2520 ss:$0x21] =	vst.msk $0xffff, v10  }
0x91: {  	v9 =	vld.idx.msk [tilespmem:v0+s28+$0x470 ss:$0x1], $0xffff;
	[tilespmem:s30+$0x2730 ss:$0x21] =	vst.msk $0xffff, v11  }
0x92: {  	v3 =	vld.idx.msk [tilespmem:v0+s28+$0xC10 ss:$0x1], $0xffff;
	[tilespmem:s30+$0x2940 ss:$0x21] =	vst.msk $0xffff, v12  }
0x93: {  	v1 =	vld.idx.msk [tilespmem:v0+s28+$0xC20 ss:$0x1], $0xffff;
	[tilespmem:s30+$0x2B50 ss:$0x21] =	vst.msk $0xffff, v13  }
0x94: {  	v2 =	vld.idx.msk [tilespmem:v0+s28+$0xC30 ss:$0x1], $0xffff;
	[tilespmem:s30+$0xA50 ss:$0x21] =	vst.msk $0xffff, v4  }
0x95: {  	[tilespmem:s30+$0xE70 ss:$0x21] =	vst.msk $0xffff, v6;
	v6 =	vld.idx.msk [tilespmem:v0+s28+$0x460 ss:$0x1], $0xffff  }
0x96: {  	v4 =	vld.idx.msk [tilespmem:v0+s28+$0x440 ss:$0x1], $0xffff;
	[tilespmem:s30+$0xC60 ss:$0x21] =	vst.msk $0xffff, v5  }
0x97: {  	v5 =	vld.idx.msk [tilespmem:v0+s28+$0x450 ss:$0x1], $0xffff;
	[tilespmem:s30+$0x1080 ss:$0x21] =	vst.msk $0xffff, v7  }
0x98: {  	[tilespmem:s30+$0x2100 ss:$0x21] =	vst.msk $0xffff, v8;
	v8 =	vld.idx.msk [tilespmem:v0+s28+$0x810 ss:$0x1], $0xffff  }
0x99: {  	s0 =	smul.u32 $0x10800, s0;
	v7 =	vld.idx.msk [tilespmem:v0+s28+$0x860 ss:$0x1], $0xffff;
	[tilespmem:s30+$0x1EF0 ss:$0x21] =	vst.msk $0xffff, v9  }
0x9a: {  	[tilespmem:s30+$0x1CE0 ss:$0x21] =	vst.msk $0xffff, v6;
	v6 =	vld.idx.msk [tilespmem:v0+s28+$0x870 ss:$0x1], $0xffff  }
0x9b: {  	s31 =	simm.s32 $0x4;
	s0 =	sshrl.u32 s0, $0x2;
	[tilespmem:s30+$0x18C0 ss:$0x21] =	vst.msk $0xffff, v4;
	v4 =	vld.idx.msk [tilespmem:v0+s28+$0xC40 ss:$0x1], $0xffff  }
0x9c: {  	s26 =	sor.u32 $0x8000, s0;
	s0 =	simm.s32 $0x80;
	s1 =	simm.s32 $0x200;
	[tilespmem:s30+$0x1AD0 ss:$0x21] =	vst.msk $0xffff, v5;
	v5 =	vld.idx.msk [tilespmem:v0+s28+$0xC50 ss:$0x1], $0xffff  }
0x9d: {  	s9 =	simm.s32 $0x8;
	s5 =	sand.u32 $0x380, s0;
	s4 =	sand.u32 $0x3000, s1;
	[tilespmem:s30+$0x2310 ss:$0x21] =	vst.msk $0xffff, v8;
	v8 =	vld.idx.msk [tilespmem:v0+s28+$0xC60 ss:$0x1], $0xffff  }
.LBB1_3:
0x9e: {  	p1 =	sne.s32 s9, $0x7C;
	[tilespmem:s30+$0x2D60 ss:$0x21] =	vst.msk $0xffff, v7;
	v7 =	vld.idx.msk [tilespmem:v0+s28+$0xC70 ss:$0x1], $0xffff;
	s28 =	sor.u32 s5, s4  }
0x9f: {  	s4 =	sand.u32 $0x3200, s28;
	v9 =	vld.idx.msk [tilespmem:v0+s28+$0x410 ss:$0x1], $0xffff;
	[tilespmem:s30+$0x2F70 ss:$0x21] =	vst.msk $0xffff, v6  }
0xa0: {  	s5 =	sand.u32 $0x180, s0;
	s4 =	sadd.s32 s4, s27;
	v6 =	vld.idx.msk [tilespmem:v0+s28+$0x420 ss:$0x1], $0xffff;
	[tilespmem:s30+$0x3390 ss:$0x21] =	vst.msk $0xffff, v3  }
0xa1: {  	s4 =	sadd.s32 s5, s4;
	v3 =	vld.idx.msk [tilespmem:v0+s28+$0x430 ss:$0x1], $0xffff;
	[tilespmem:s30+$0x35A0 ss:$0x21] =	vst.msk $0xffff, v1  }
0xa2: {  	v1 =	vld [tilespmem:s4+$0xC00];
	[tilespmem:s30+$0x37B0 ss:$0x21] =	vst.msk $0xffff, v2  }
0xa3: {  	v2 =	vld [tilespmem:s4+$0x0];
	[tilespmem:s30+$0x39C0 ss:$0x21] =	vst.msk $0xffff, v4  }
0xa4: {  	v4 =	vld [tilespmem:s4+$0x10];
	[tilespmem:s30+$0x3BD0 ss:$0x21] =	vst.msk $0xffff, v5  }
0xa5: {  	s5 =	sshra.s32 s31, $0x2;
	s31 =	smov.u32 s9;
	v5 =	vld [tilespmem:s4+$0x20];
	[tilespmem:s30+$0x3DE0 ss:$0x21] =	vst.msk $0xffff, v8  }
0xa6: {  	v8 =	vld [tilespmem:s4+$0x30];
	[tilespmem:s30+$0x3FF0 ss:$0x21] =	vst.msk $0xffff, v7;
	s30 =	sadd.s32 s5, s29  }
0xa7: {  	v7 =	vld [tilespmem:s4+$0x40];
	[tilespmem:s30+$0x3180 ss:$0x21] =	vst.msk $0xffff, v1  }
0xa8: {  	[tilespmem:s30+$0x0 ss:$0x21] =	vst.msk $0xffff, v2;
	v1 =	vld [tilespmem:s4+$0x50]  }
0xa9: {  	[tilespmem:s30+$0x210 ss:$0x21] =	vst.msk $0xffff, v4;
	v2 =	vld [tilespmem:s4+$0x60]  }
0xaa: {  	[tilespmem:s30+$0x420 ss:$0x21] =	vst.msk $0xffff, v5;
	v4 =	vld [tilespmem:s4+$0x70]  }
0xab: {  	[tilespmem:s30+$0x630 ss:$0x21] =	vst.msk $0xffff, v8;
	v5 =	vld [tilespmem:s4+$0x400]  }
0xac: {  	[tilespmem:s30+$0x840 ss:$0x21] =	vst.msk $0xffff, v7;
	v7 =	vld [tilespmem:s4+$0x800]  }
0xad: {  	[tilespmem:s30+$0xA50 ss:$0x21] =	vst.msk $0xffff, v1;
	v1 =	vld.idx.msk [tilespmem:v0+s28+$0x440 ss:$0x1], $0xffff  }
0xae: {  	[tilespmem:s30+$0xC60 ss:$0x21] =	vst.msk $0xffff, v2;
	v2 =	vld.idx.msk [tilespmem:v0+s28+$0x450 ss:$0x1], $0xffff  }
0xaf: {  	[tilespmem:s30+$0xE70 ss:$0x21] =	vst.msk $0xffff, v4;
	v4 =	vld.idx.msk [tilespmem:v0+s28+$0x460 ss:$0x1], $0xffff  }
0xb0: {  	[tilespmem:s30+$0x1080 ss:$0x21] =	vst.msk $0xffff, v5;
	v5 =	vld.idx.msk [tilespmem:v0+s28+$0x470 ss:$0x1], $0xffff  }
0xb1: {  	[tilespmem:s30+$0x2100 ss:$0x21] =	vst.msk $0xffff, v7;
	v8 =	vld.idx.msk [tilespmem:v0+s28+$0x810 ss:$0x1], $0xffff  }
0xb2: {  	[tilespmem:s30+$0x1290 ss:$0x21] =	vst.msk $0xffff, v9;
	v9 =	vld.idx.msk [tilespmem:v0+s28+$0x820 ss:$0x1], $0xffff  }
0xb3: {  	[tilespmem:s30+$0x14A0 ss:$0x21] =	vst.msk $0xffff, v6;
	v10 =	vld.idx.msk [tilespmem:v0+s28+$0x830 ss:$0x1], $0xffff  }
0xb4: {  	[tilespmem:s30+$0x16B0 ss:$0x21] =	vst.msk $0xffff, v3;
	v11 =	vld.idx.msk [tilespmem:v0+s28+$0x840 ss:$0x1], $0xffff  }
0xb5: {  	[tilespmem:s30+$0x18C0 ss:$0x21] =	vst.msk $0xffff, v1;
	v12 =	vld.idx.msk [tilespmem:v0+s28+$0x850 ss:$0x1], $0xffff  }
0xb6: {  	[tilespmem:s30+$0x1AD0 ss:$0x21] =	vst.msk $0xffff, v2;
	v7 =	vld.idx.msk [tilespmem:v0+s28+$0x860 ss:$0x1], $0xffff  }
0xb7: {  	[tilespmem:s30+$0x1CE0 ss:$0x21] =	vst.msk $0xffff, v4;
	v6 =	vld.idx.msk [tilespmem:v0+s28+$0x870 ss:$0x1], $0xffff  }
0xb8: {  	[tilespmem:s30+$0x1EF0 ss:$0x21] =	vst.msk $0xffff, v5;
	v3 =	vld.idx.msk [tilespmem:v0+s28+$0xC10 ss:$0x1], $0xffff  }
.Ltmp3:
0xb9: {  	[tilespmem:s30+$0x2310 ss:$0x21] =	vst.msk $0xffff, v8;
	v1 =	vld.idx.msk [tilespmem:v0+s28+$0xC20 ss:$0x1], $0xffff;
	(pc) =	sbr.rel @p1 .LBB1_3-.Ltmp3, $4  }
0xba: {  	[tilespmem:s30+$0x2520 ss:$0x21] =	vst.msk $0xffff, v9;
	v2 =	vld.idx.msk [tilespmem:v0+s28+$0xC30 ss:$0x1], $0xffff  }
0xbb: {  	[tilespmem:s30+$0x2730 ss:$0x21] =	vst.msk $0xffff, v10;
	v4 =	vld.idx.msk [tilespmem:v0+s28+$0xC40 ss:$0x1], $0xffff  }
0xbc: {  	s0 =	sadd.s32 $0x80, s0;
	s1 =	sadd.s32 $0x200, s1;
	[tilespmem:s30+$0x2940 ss:$0x21] =	vst.msk $0xffff, v11;
	v5 =	vld.idx.msk [tilespmem:v0+s28+$0xC50 ss:$0x1], $0xffff  }
0xbd: {  	s9 =	sadd.s32 $0x4, s9;
	s5 =	sand.u32 $0x380, s0;
	s4 =	sand.u32 $0x3000, s1;
	[tilespmem:s30+$0x2B50 ss:$0x21] =	vst.msk $0xffff, v12;
	v8 =	vld.idx.msk [tilespmem:v0+s28+$0xC60 ss:$0x1], $0xffff  }
.Ltmp4:
0xbe: {  	_ = 	snop;
	(pc) =	sbr.rel .LBB1_4-.Ltmp4, $1  }
0xbf: {  	_ =	sdelay $0x3  }
.LBB1_6:
0xc0: {  	_ =	sfence.sel $0x180000  }
0xc1: {  	s0 =	simm.s32 $0x1;
	[bflag:$0x0] =	sbarrier.arrive $0xFFFF  }
0xc2: {  	s30 =	simm.s32 $0x2;
	[sflag:s0] =	ssyncpa.u1 $0x1  }
0xc3: {  	[sflag:s30] =	ssyncpa.u1 $0x1  }
0xc4: {  	_ =	strace $0x90000047  }
0xc5: {  	s31 =	stileid.u32;
	[bflag:$0x2] =	sbarrier.arrive $0xFFFF  }
0xc6: {  	p0 =	sne.s32 s31, $0x0;
	s0 =	rddreg [dreg:$0x1]  }
0xc7: {  	s0 =	sadd.s32 @!p0 $0x100000, s0  }
0xc8: {  	[sflag:s0] =	ssyncadd.tile.s32 @!p0 $0x1;
	_ =	shalt  }
.Lfunc_end1:
_tile_overlayer_lowered:
.L_overlay_start_2:
0xc9: {  	(tag) =	ssettag $0x2  }
0xca: {  	s0 =	rddreg [dreg:$0x0];
	s2 =	stileid.u32  }
0xcb: {  	s1 =	rddreg [dreg:$0x1];
	p0 =	sne.s32 s2, $0x0  }
0xcc: {  	s3 =	rddreg [dreg:$0x2];
	[bflag:$0x3] =	sbarrier.arrive $0xFFFF;
	s2 =	simm.s32 @!p0 $0x1C01  }
0xcd: {  	[timem:s3], [sflag:s2] =	dma.local @!p0 [hbm:s0], s1  }
0xce: {  	s0 =	simm.s32 @!p0 $0x1  }
0xcf: {  	_ =	swait.ge @!p0 [sflag:s0], s1  }
0xd0: {  	s1 =	ssub.s32 @!p0 $0x0, s1;
	[sflag:s0] =	ssyncset.done @!p0 $0x0  }
0xd1: {  	[sflag:s0] =	ssyncadd.s32 @!p0 s1  }
0xd2: {  	[bflag:$0x3] =	sbarrier.arrive $0xFFFF  }
0xd3: {  	_ =	shalt  }

// kernel: sparse-core-data-format-call.cloned.1.call-start
scs
called_computation_lowered:
.L_overlay_start_0:
0x0: {  	s1 =	sld [smem:$0x3FD9]  }
0x1: {  	s2 =	sld [smem:$0x3FFE];
	_ =	sdelay $0x1  }
0x2: {  	s3 =	srdreg.scid  }
0x3: {  	s0 =	sand.u32 $0x1, s3  }
0x4: {  	s17 =	sshll.u32 s0, $0xA;
	s1 =	sadd.s32 s2, s1  }
0x5: {  	s1 =	sadd.s32 s1, s17  }
0x6: {  	[smem:$0x3FBD] =	sst s1  }
0x7: {  	_ = 	snop  }
0x8: {  	(tm) =	ssettm $0x1  }
0x9: {  	s18 =	sld [smem:$0x3FFB];
	_ =	sdelay $0x3  }
0xa: {  	_ =	strace s18  }
0xb: {  	s1 =	sld [smem:$0x3FFC];
	_ =	sdelay $0x3  }
0xc: {  	_ =	strace s1  }
0xd: {  	s1 =	sld [smem:$0x3FFD];
	_ =	sdelay $0x3  }
0xe: {  	_ =	strace s1  }
0xf: {  	_ =	strace $0x8FFFFFFF  }
0x10: {  	s19 =	sld [smem:$0x3FDB];
	_ =	sdelay $0x1  }
0x11: {  	s20 =	simm.s32 $_scs_section_size  }
0x12: {  	s4 =	simm.s32 $_size__tile_overlayer_lowered;
	s5 =	simm.s32 $_tile_overlayer_lowered  }
0x13: {  	s23 =	simm.s32 $0x1BFF;
	s22 =	sshll.u32 s5, $0x1;
	s1 =	sadd.s32 s20, s19  }
0x14: {  	s6 =	simm.s32 $0x0;
	s21 =	sshll.u32 s4, $0x1;
	s4 =	sadd.s32 s22, s1  }
0x15: {  	[timem:s6], [sflag:s23] =	dma.local [hbm:s4], s21  }
0x16: {  	_ =	swait.ge [sflag:s23], s21  }
0x17: {  	s2 =	ssub.s32 $0x0, s21;
	[sflag:s23] =	ssyncset.done $0x0  }
0x18: {  	[sflag:s23] =	ssyncadd.s32 s2;
	_ =	sdelay $0x1  }
0x19: {  	s24 =	simm.s32 $0x1B8B  }
0x1a: {  	_ =	swait.ge [sflag:s24], $0x1  }
0x1b: {  	[sflag:s24] =	ssyncset.done $0x0  }
0x1c: {  	s26 =	simm.s32 $0x1B8E;
	s25 =	sld [smem:$0x3FFE];
	[sflag:s24] =	ssyncadd.s32 $0xFFFFFFFF  }
0x1d: {  	s27 =	simm.s32 $execute0_lowered;
	[smem:$0x3FD2] =	sst s26  }
0x1e: {  	s4 =	sshll.u32 s27, $0x1;
	_ =	strace $0x80000049;
	[dreg:$0x1] =	wrdreg $0xFFFFFFFF  }
0x1f: {  	s28 =	simm.s32 $_size_execute0_lowered;
	s1 =	sadd.s32 s1, s4;
	[dreg:$0x0] =	wrdreg $0x0  }
0x20: {  	s4 =	sshll.u32 s28, $0x1;
	[dreg:$0x2] =	wrdreg s1  }
0x21: {  	[dreg:$0x3] =	wrdreg s4  }
0x22: {  	[dreg:$0x4] =	wrdreg $0xC0  }
0x23: {  	_ =	task [dreg:s6], $0x5FFFF  }
0x24: {  	[dreg:$0x1] =	wrdreg $0xFFFFFFFF  }
0x25: {  	[dreg:$0x0] =	wrdreg $0x60  }
0x26: {  	[dreg:$0x2] =	wrdreg s25  }
0x27: {  	[dreg:$0x3] =	wrdreg $0x9  }
0x28: {  	_ =	task.clear_ibuf [dreg:s6], $0x4FFFF;
	_ =	strace $0x90000049  }
0x29: {  	s29 =	simm.s32 $0x9;
	_ =	strace $0x8000004B  }
0x2a: {  	_ =	swait.ge [sflag:s29], $0x1  }
0x2b: {  	[sflag:s29] =	ssyncadd.s32 $0xFFFFFFFF  }
0x2c: {  	_ =	strace $0x9000004B  }
0x2d: {  	_ =	sfence  }
0x2e: {  	s30 =	sld [smem:$0x0];
	_ =	sdelay $0x2  }
0x2f: {  	s31 =	sshll.u32 s3, $0xD;
	s3 =	sshrl.u32 s3, $0x2  }
0x30: {  	s2 =	sand.u32 $0x4000, s31;
	s1 =	sadd.s32 s3, s30  }
0x31: {  	s0 =	sor.u32 s2, s0;
	s1 =	sshll.u32 s1, $0x11  }
0x32: {  	s0 =	sor.u32 s1, s0  }
0x33: {  	s0 =	sadd.s32 $0x8F2B, s0  }
0x34: {  	[sflag:s0] =	ssyncadd.remote.s32 $0x1  }
0x35: {  	_ =	sfence.sel $0xFFFF  }
0x36: {  	[dreg:$0x0] =	wrdreg $0xFFFFFFFF;
	(pc) =	sbr.abs _section_cstart, $3  }
0x37: {  	[dreg:$0x1] =	wrdreg $0xFFFFFFFF  }
0x38: {  	_ =	task.clear_ibuf [dreg:s6], $0x2FFFF;
	_ =	strace $0x9FFFFFFF  }
0x39: {  	(tm) =	ssettm $0x7FFFFFFF  }
tec
execute0_lowered:
.L_overlay_start_1:
0x0: {  	(tag) =	ssettag $0x1  }
0x1: {  	s4 =	rddreg [dreg:$0x0]  }
0x2: {  	s0 =	rddreg [dreg:$0x1];
	_ =	strace $0x8000004A  }
0x3: {  	s1 =	stileid.u32;
	s3 =	srdreg.scid;
	s10 =	simm.s32 $0x2  }
0x4: {  	s21 =	simm.s32 $0x0;
	p0 =	por $0x0, $0x0;
	s11 =	simm.s32 $0x800  }
0x5: {  	s19 =	simm.s32 $0x0;
	s18 =	simm.s32 $0x0;
	s20 =	simm.s32 $0x0  }
0x6: {  	s22 =	simm.s32 $0x0;
	s12 =	simm.s32 $0x0;
	s15 =	simm.s32 $0x0  }
0x7: {  	s17 =	simm.s32 $0x0;
	s2 =	sadd.s32 $0x1E00, s4;
	s5 =	sshll.u32 s3, $0x4  }
0x8: {  	s3 =	sand.u32 $0x1, s1;
	s4 =	sadd.s32 $0x178E00, s4;
	s9 =	sshll.u32 s1, $0x6  }
0x9: {  	s5 =	sand.u32 $0x10, s5;
	s6 =	ssub.s32 $0x2, s3;
	s16 =	smov.u32 s3  }
.Ltmp0:
0xa: {  	s8 =	sshrl.u32 s6, $0x1;
	s6 =	sand.u32 $0x1, s6;
	(pc) =	sbr.rel .LBB1_1-.Ltmp0, $4  }
0xb: {  	s7 =	sor.u32 s1, s5;
	s5 =	simm.s32 $0x1;
	s6 =	sadd.s32 s6, s8  }
0xc: {  	[sflag:s5] =	ssyncpa.u1 $0x0;
	s7 =	sshrl.u32 s7, $0x2;
	s6 =	smul.u32 $0x18, s6  }
0xd: {  	s8 =	sand.u32 $0x80, s9;
	[sflag:s10] =	ssyncpa.u1 $0x0;
	s10 =	simm.s32 $0x2000  }
0xe: {  	s13 =	smov.u32 s7;
	s14 =	smov.u32 s8;
	s9 =	sor.u32 $0x1, s6  }
.LBB1_6:
0xf: {  	v5 =	vld [tilespmem:s24+$0xFFFFFFD0];
	[tilespmem:s26+$0x2040 ss:$0x81] =	vst.msk $0xffff, v2  }
0x10: {  	v58 =	vld [tilespmem:s24+$0xFFFFFFE0];
	[tilespmem:s26+$0x2850 ss:$0x81] =	vst.msk $0xffff, v3  }
0x11: {  	s27 =	sshra.s32 s27, $0x2;
	v59 =	vld [tilespmem:s24+$0xFFFFFFF0];
	[tilespmem:s26+$0x3060 ss:$0x81] =	vst.msk $0xffff, v4  }
0x12: {  	v60 =	vld [tilespmem:s24+$0x0];
	[tilespmem:s26+$0x0 ss:$0x81] =	vst.msk $0xffff, v0;
	s28 =	sshll.u32 s21, $0x8;
	s29 =	sshll.u32 s18, $0x3;
	s25 =	sadd.s32 s27, s25  }
0x13: {  	v61 =	vld [tilespmem:s24+$0x10];
	s30 =	sshll.u32 s21, $0x7;
	s22 =	smul.u32 $0xC0000, s22;
	s20 =	sshll.u32 s20, $0x12;
	[tilespmem:s25+$0x3870 ss:$0x81] =	vst.msk $0xffff, v1  }
0x14: {  	v62 =	vld [tilespmem:s24+$0x20];
	s19 =	sshll.u32 s19, $0xF;
	s26 =	sand.u32 $0x3F800, s28;
	s27 =	sand.u32 $0x3FC00, s29;
	[tilespmem:s25+$0x810 ss:$0x81] =	vst.msk $0xffff, v5  }
0x15: {  	v63 =	vld [tilespmem:s24+$0xFFFFFFC0];
	s31 =	sand.u32 $0x300, s30;
	s28 =	sand.u32 $0x78, s18;
	s21 =	sand.u32 $0x80, s30;
	[tilespmem:s25+$0x1020 ss:$0x81] =	vst.msk $0xffff, v58  }
0x16: {  	s30 =	sand.u32 $0x7, s18;
	s26 =	sadd.s32 s27, s26;
	s22 =	sadd.s32 s4, s22;
	[tilespmem:s25+$0x1830 ss:$0x81] =	vst.msk $0xffff, v59  }
0x17: {  	s21 =	sor.u32 s28, s21;
	s26 =	sor.u32 s31, s26;
	s20 =	sadd.s32 s20, s22;
	[tilespmem:s25+$0x2040 ss:$0x81] =	vst.msk $0xffff, v60  }
0x18: {  	s21 =	sshrl.u32 s21, $0x3;
	s29 =	sshrl.u32 s26, $0x3;
	s19 =	sadd.s32 s19, s20;
	[tilespmem:s25+$0x2850 ss:$0x81] =	vst.msk $0xffff, v61  }
0x19: {  	s18 =	sshll.u32 s30, $0x12;
	[tilespmem:s25+$0x3060 ss:$0x81] =	vst.msk $0xffff, v62;
	s31 =	sand.u32 $0x7FE0, s29;
	s19 =	sadd.s32 s21, s19  }
0x1a: {  	s18 =	sor.u32 $0x400, s18;
	[tilespmem:s25+$0x0 ss:$0x81] =	vst.msk $0xffff, v63;
	s19 =	sadd.s32 s31, s19  }
0x1b: {  	[hbm4b:s19+s18] =	stream.strided.scatter [tilespmem:s23], [sflag:$0x2], $0x4000, s11, s18, $0x20;
	[tilespmem:$0x10100] =	vst v63  }
.LBB1_7:
0x1c: {  	s23 =	sadd.s32 $0x80, s12  }
0x1d: {  	s18 =	sadd.s32 $0x8, s13;
	s24 =	smov.u32 s13;
	p2 =	sgt.s32 s23, $0x3FF  }
0x1e: {  	s24 =	smov.u32 @p2 s18  }
0x1f: {  	s25 =	smov.u32 s14;
	s18 =	sadd.s32 $0x100, s14;
	p3 =	sgt.s32 s24, $0x7  }
0x20: {  	s25 =	smov.u32 @p3 s18  }
0x21: {  	s18 =	simm.s32 $0x1;
	p4 =	sgt.s32 s25, $0xF9  }
0x22: {  	s18 =	simm.s32 @!p4 $0x0  }
0x23: {  	p1 =	slt.u32 s17, $0x2;
	s27 =	smov.u32 s16;
	s26 =	sadd.s32 s18, s15  }
0x24: {  	s21 =	smov.u32 s12;
	s18 =	sadd.s32 $0x2, s16;
	p5 =	sgt.s32 s26, $0x2  }
0x25: {  	s19 =	smov.u32 s13;
	s20 =	smov.u32 s15;
	s27 =	smov.u32 @p5 s18  }
0x26: {  	s22 =	smov.u32 s16;
	s23 =	simm.s32 @p2 $0x0;
	p2 =	sgt.s32 s27, $0x1  }
0x27: {  	s28 =	simm.s32 @!p1 $0x2;
	s27 =	smov.u32 @p2 s3;
	p2 =	sne.s32 s17, s9  }
.Ltmp1:
0x28: {  	p0 =	por !p0, !p0;
	_ =	swait.ge @!p1 [sflag:s28], $0x4000;
	(pc) =	sbr.rel @!p2 .LBB1_8-.Ltmp1, $4  }
0x29: {  	[sflag:s28] =	ssyncset.done @!p1 $0x0;
	s12 =	smov.u32 s23;
	s24 =	smov.u32 @p3 s7  }
0x2a: {  	[sflag:s28] =	ssyncadd.s32 @!p1 $0xFFFFC000;
	s13 =	smov.u32 s24;
	s25 =	smov.u32 @p4 s8  }
0x2b: {  	s26 =	simm.s32 @p5 $0x0;
	s18 =	smov.u32 s14;
	s14 =	smov.u32 s25  }
0x2c: {  	s15 =	smov.u32 s26;
	s17 =	sadd.s32 $0x1, s17;
	s16 =	smov.u32 s27  }
.LBB1_1:
0x2d: {  	p1 =	sge.u32 s17, s6  }
.Ltmp2:
0x2e: {  	_ = 	snop;
	(pc) =	sbr.rel @p1 .LBB1_3-.Ltmp2, $1  }
0x2f: {  	_ =	sdelay $0x3  }
0x30: {  	p1 =	sgt.s32 s16, $0x1;
	s23 =	smov.u32 s16;
	s24 =	sxor.u32 $0xFFFFFFFF, s17  }
0x31: {  	s25 =	sshra.s32 s16, $0x1F;
	s26 =	smov.u32 s15;
	s27 =	sshra.s32 s15, $0x1F  }
0x32: {  	s29 =	sshra.s32 s14, $0x1F;
	s31 =	sshra.s32 s13, $0x1F;
	s23 =	simm.s32 @!p1 $0x1  }
0x33: {  	s25 =	sand.u32 s25, s16;
	p1 =	sgt.s32 s15, $0x2;
	s27 =	sand.u32 s27, s15  }
0x34: {  	s24 =	sshll.u32 s24, $0xE;
	s25 =	sxor.u32 $0xFFFFFFFF, s25;
	s26 =	simm.s32 @!p1 $0x2  }
0x35: {  	s30 =	sand.u32 s29, s14;
	s23 =	sadd.s32 s25, s23;
	s28 =	ssub.s32 s26, s27  }
0x36: {  	p1 =	sgt.s32 s23, $0x0;
	s23 =	ssub.s32 $0x1, s23;
	s26 =	sadd.s32 $0xFFFFFFFE, s28  }
0x37: {  	s25 =	ssub.s32 $0x3, s28;
	s23 =	simm.s32 @p1 $0x0;
	p1 =	sgt.s32 s26, $0x0  }
0x38: {  	s26 =	smov.u32 s14;
	s25 =	simm.s32 @p1 $0x0;
	p1 =	sgt.s32 s14, $0x7A  }
0x39: {  	s29 =	sshra.s32 s12, $0x1F;
	s23 =	smul.u32 s23, s25;
	s26 =	simm.s32 @!p1 $0x7A  }
0x3a: {  	p1 =	sgt.s32 s13, $0x7;
	s25 =	ssub.s32 s26, s30;
	s26 =	smov.u32 s13  }
0x3b: {  	s27 =	sand.u32 s31, s13;
	s28 =	sadd.s32 $0xFFFFFF86, s25;
	s26 =	simm.s32 @!p1 $0x7  }
0x3c: {  	s25 =	ssub.s32 $0xFA, s25;
	p1 =	sgt.s32 s28, $0x7F;
	s26 =	ssub.s32 s26, s27  }
0x3d: {  	s31 =	smul.u32 $0xBB800, s16;
	s25 =	simm.s32 @p1 $0x0;
	s27 =	sadd.s32 $0xFFFFFFF9, s26  }
0x3e: {  	s24 =	sand.u32 $0x4000, s24;
	s23 =	smul.u32 s25, s23;
	p1 =	sgt.s32 s27, $0x0  }
0x3f: {  	s25 =	ssub.s32 $0x8, s26;
	s26 =	smov.u32 s12;
	s27 =	sand.u32 s29, s12  }
0x40: {  	s29 =	sshll.u32 s13, $0x7;
	s25 =	simm.s32 @p1 $0x0;
	p1 =	sgt.s32 s12, $0x380  }
0x41: {  	s28 =	sand.u32 $0x78, s12;
	s30 =	sand.u32 $0x380, s29;
	s26 =	simm.s32 @!p1 $0x380  }
0x42: {  	s29 =	sadd.s32 s2, s31;
	s23 =	smul.u32 s25, s23;
	s25 =	ssub.s32 s26, s27  }
0x43: {  	s26 =	sor.u32 s28, s30;
	s30 =	smul.u32 $0x3E800, s15;
	s27 =	sadd.s32 $0xFFFFFC80, s25  }
0x44: {  	s31 =	sshll.u32 s14, $0xA;
	s25 =	ssub.s32 $0x400, s25;
	p1 =	sgt.s32 s27, $0x7F  }
0x45: {  	s28 =	sand.u32 $0x380, s12;
	s27 =	sadd.s32 s30, s29;
	s25 =	simm.s32 @p1 $0x0  }
0x46: {  	s30 =	sand.u32 $0x7, s12;
	s29 =	sadd.s32 s31, s27;
	s23 =	smul.u32 s25, s23  }
0x47: {  	s26 =	sshrl.u32 s26, $0x3;
	s27 =	sshll.u32 s30, $0x12;
	s25 =	sadd.s32 s28, s29  }
0x48: {  	s31 =	sor.u32 $0x80, s27;
	s25 =	sadd.s32 s26, s25;
	s23 =	sand.u32 $0x3FFFFFFF, s23  }
0x49: {  	[tilespmem:s24], [sflag:$0x1] =	stream.strided.gather [hbm4b:s25+s31], s23, s10, s31, $0x38;
	[tilespmem:$0x10100] =	vst v63  }
.LBB1_3:
0x4a: {  	s23 =	sadd.s32 $0xFFFFFFFF, s17  }
0x4b: {  	p1 =	sge.u32 s23, s6  }
.Ltmp3:
0x4c: {  	_ = 	snop;
	(pc) =	sbr.rel @p1 .LBB1_7-.Ltmp3, $1  }
0x4d: {  	_ =	sdelay $0x3  }
0x4e: {  	s23 =	sshra.s32 s22, $0x1F;
	p1 =	sgt.s32 s22, $0x1  }
0x4f: {  	s24 =	smov.u32 s22;
	p2 =	sgt.s32 s20, $0x2;
	s25 =	sshra.s32 s20, $0x1F  }
0x50: {  	s26 =	sshra.s32 s18, $0x1F;
	s29 =	sshra.s32 s19, $0x1F;
	s23 =	sand.u32 s23, s22  }
0x51: {  	s31 =	sshra.s32 s21, $0x1F;
	s24 =	simm.s32 @!p1 $0x1;
	s23 =	sxor.u32 $0xFFFFFFFF, s23  }
0x52: {  	s25 =	sand.u32 s25, s20;
	s23 =	sadd.s32 s23, s24;
	s24 =	smov.u32 s20  }
0x53: {  	s26 =	sand.u32 s26, s18;
	p1 =	sgt.s32 s23, $0x0;
	s24 =	simm.s32 @!p2 $0x2  }
0x54: {  	p2 =	sgt.s32 s18, $0x7A;
	s24 =	ssub.s32 s24, s25;
	s25 =	smov.u32 s18  }
0x55: {  	s23 =	ssub.s32 $0x1, s23;
	s27 =	sadd.s32 $0xFFFFFFFE, s24;
	s25 =	simm.s32 @!p2 $0x7A  }
0x56: {  	s24 =	ssub.s32 $0x3, s24;
	p2 =	sgt.s32 s27, $0x0;
	s25 =	ssub.s32 s25, s26  }
0x57: {  	s23 =	simm.s32 @p1 $0x0;
	s24 =	simm.s32 @p2 $0x0;
	s26 =	sadd.s32 $0xFFFFFF86, s25  }
0x58: {  	s23 =	smul.u32 s23, s24;
	p1 =	sgt.s32 s26, $0x7F;
	s24 =	ssub.s32 $0xFA, s25  }
0x59: {  	s25 =	smov.u32 s19;
	s24 =	simm.s32 @p1 $0x0;
	p1 =	sgt.s32 s19, $0x7  }
0x5a: {  	s30 =	sand.u32 s29, s19;
	s23 =	smul.u32 s24, s23;
	s25 =	simm.s32 @!p1 $0x7  }
0x5b: {  	p1 =	sgt.s32 s21, $0x380;
	s24 =	ssub.s32 s25, s30;
	s25 =	smov.u32 s21  }
0x5c: {  	s26 =	sand.u32 s31, s21;
	s27 =	sadd.s32 $0xFFFFFFF9, s24;
	s25 =	simm.s32 @!p1 $0x380  }
0x5d: {  	s24 =	ssub.s32 $0x8, s24;
	p1 =	sgt.s32 s27, $0x0;
	s25 =	ssub.s32 s25, s26  }
0x5e: {  	s24 =	simm.s32 @p1 $0x0;
	s26 =	sadd.s32 $0xFFFFFC80, s25  }
0x5f: {  	s23 =	smul.u32 s24, s23;
	p1 =	sgt.s32 s26, $0x7F;
	s24 =	ssub.s32 $0x400, s25  }
0x60: {  	s24 =	simm.s32 @p1 $0x0  }
0x61: {  	s23 =	smul.u32 s24, s23;
	_ =	sdelay $0x1  }
0x62: {  	s24 =	simm.s32 $0x1;
	s23 =	sand.u32 $0x3FFFFFFF, s23  }
0x63: {  	s24 =	simm.s32 @!p0 $0x0;
	_ =	swait.ge [sflag:s5], s23  }
0x64: {  	s29 =	sshll.u32 s24, $0xE;
	s23 =	ssub.s32 $0x0, s23;
	[sflag:s5] =	ssyncset.done $0x0  }
0x65: {  	s27 =	sor.u32 $0x40, s29;
	[sflag:s5] =	ssyncadd.s32 s23  }
0x66: {  	s30 =	smul.u32 $0x10200, s24;
	v0 =	vld [tilespmem:s27+$0x30]  }
0x67: {  	v1 =	vld [tilespmem:s27+$0xFFFFFFD0]  }
0x68: {  	s23 =	sshrl.u32 s30, $0x2;
	v5 =	vld [tilespmem:s27+$0xFFFFFFE0]  }
0x69: {  	s25 =	sor.u32 $0x8000, s23;
	v6 =	vld [tilespmem:s27+$0xFFFFFFF0]  }
0x6a: {  	s31 =	sand.u32 $0x1, s17;
	v2 =	vld [tilespmem:s27+$0x0];
	s26 =	sadd.s32 $0x0, s25  }
0x6b: {  	s23 =	smul.u32 $0x10200, s31;
	v3 =	vld [tilespmem:s27+$0x10];
	[tilespmem:s26+$0x3870 ss:$0x81] =	vst.msk $0xffff, v0  }
0x6c: {  	v4 =	vld [tilespmem:s27+$0x20];
	[tilespmem:s26+$0x810 ss:$0x81] =	vst.msk $0xffff, v1  }
0x6d: {  	s24 =	sadd.s32 $0x80, s27;
	s23 =	sshrl.u32 s23, $0x2;
	v0 =	vld [tilespmem:s27+$0xFFFFFFC0];
	[tilespmem:s26+$0x1020 ss:$0x81] =	vst.msk $0xffff, v5  }
0x6e: {  	s28 =	simm.s32 $0x8;
	s23 =	sor.u32 $0x8000, s23;
	s27 =	simm.s32 $0x4;
	v1 =	vld [tilespmem:s24+$0x30];
	[tilespmem:s26+$0x1830 ss:$0x81] =	vst.msk $0xffff, v6  }
.LBB1_5:
0x6f: {  	p1 =	sne.s32 s28, $0x1FC;
	v5 =	vld [tilespmem:s24+$0xFFFFFFD0];
	[tilespmem:s26+$0x2040 ss:$0x81] =	vst.msk $0xffff, v2  }
0x70: {  	v6 =	vld [tilespmem:s24+$0xFFFFFFE0];
	[tilespmem:s26+$0x2850 ss:$0x81] =	vst.msk $0xffff, v3  }
0x71: {  	s29 =	sshra.s32 s27, $0x2;
	s27 =	smov.u32 s28;
	v7 =	vld [tilespmem:s24+$0xFFFFFFF0];
	[tilespmem:s26+$0x3060 ss:$0x81] =	vst.msk $0xffff, v4  }
.Ltmp4:
0x72: {  	v2 =	vld [tilespmem:s24+$0x0];
	[tilespmem:s26+$0x0 ss:$0x81] =	vst.msk $0xffff, v0;
	s26 =	sadd.s32 s29, s25;
	(pc) =	sbr.rel @p1 .LBB1_5-.Ltmp4, $4  }
0x73: {  	v3 =	vld [tilespmem:s24+$0x10];
	[tilespmem:s26+$0x3870 ss:$0x81] =	vst.msk $0xffff, v1  }
0x74: {  	[tilespmem:s26+$0x810 ss:$0x81] =	vst.msk $0xffff, v5;
	v4 =	vld [tilespmem:s24+$0x20]  }
0x75: {  	v0 =	vld [tilespmem:s24+$0xFFFFFFC0];
	[tilespmem:s26+$0x1020 ss:$0x81] =	vst.msk $0xffff, v6;
	s24 =	sadd.s32 $0x80, s24  }
0x76: {  	s28 =	sadd.s32 $0x4, s28;
	v1 =	vld [tilespmem:s24+$0x30];
	[tilespmem:s26+$0x1830 ss:$0x81] =	vst.msk $0xffff, v7  }
.Ltmp5:
0x77: {  	_ = 	snop;
	(pc) =	sbr.rel .LBB1_6-.Ltmp5, $1  }
0x78: {  	_ =	sdelay $0x3  }
.LBB1_8:
0x79: {  	_ =	sfence.sel $0x180000  }
0x7a: {  	s2 =	simm.s32 $0x1;
	[bflag:$0x0] =	sbarrier.arrive $0xFFFF  }
0x7b: {  	s31 =	simm.s32 $0x2;
	[sflag:s2] =	ssyncpa.u1 $0x1  }
0x7c: {  	[sflag:s31] =	ssyncpa.u1 $0x1  }
0x7d: {  	p0 =	sne.s32 s1, $0x0;
	_ =	strace $0x9000004A  }
0x7e: {  	s0 =	sadd.s32 @!p0 $0x100000, s0;
	[bflag:$0x2] =	sbarrier.arrive $0xFFFF  }
0x7f: {  	[sflag:s0] =	ssyncadd.tile.s32 @!p0 $0x1;
	_ =	shalt  }
.Lfunc_end1:
_tile_overlayer_lowered:
.L_overlay_start_2:
0x80: {  	(tag) =	ssettag $0x2  }
0x81: {  	s0 =	rddreg [dreg:$0x0];
	s2 =	stileid.u32  }
0x82: {  	s1 =	rddreg [dreg:$0x1];
	p0 =	sne.s32 s2, $0x0  }
0x83: {  	s3 =	rddreg [dreg:$0x2];
	[bflag:$0x3] =	sbarrier.arrive $0xFFFF;
	s2 =	simm.s32 @!p0 $0x1C01  }
0x84: {  	[timem:s3], [sflag:s2] =	dma.local @!p0 [hbm:s0], s1  }
0x85: {  	s0 =	simm.s32 @!p0 $0x1  }
0x86: {  	_ =	swait.ge @!p0 [sflag:s0], s1  }
0x87: {  	s1 =	ssub.s32 @!p0 $0x0, s1;
	[sflag:s0] =	ssyncset.done @!p0 $0x0  }
0x88: {  	[sflag:s0] =	ssyncadd.s32 @!p0 s1  }
0x89: {  	[bflag:$0x3] =	sbarrier.arrive $0xFFFF  }
0x8a: {  	_ =	shalt  }

</sc_bundles>
